<compile_context>
chip_gen: v7x
topology: tpu7x:2x2x1
jax: 0.10.2.dev20260603
libtpu: 0.0.44.dev20260713+nightly
codegen_flags: <defaults>
</compile_context>

<pallas_src>
import functools

import jax
import jax.numpy as jnp
from jax import lax
from jax.experimental import pallas as pl
from jax.experimental.pallas import tpu as pltpu
from jax.experimental.pallas import tpu_sc as plsc

MAX_TIME = 1.0
TIME_NUM = 100000
DIM = 128
BATCH = 16384

NC = 2
NS = 16
LANES = 16
NW = NC * NS
B_PER_W = BATCH // NW

CHUNKS = (128, 128, 128, 128)
OFFS = (0, 128, 256, 384)
NCHUNK = len(CHUNKS)

_SCALE = float((TIME_NUM - 1) / MAX_TIME)

_mesh = plsc.VectorSubcoreMesh(core_axis_name="c", subcore_axis_name="s")


@functools.partial(
    pl.kernel,
    mesh=_mesh,
    out_type=jax.ShapeDtypeStruct((BATCH, DIM), jnp.float32),
    scratch_types=[
        pltpu.VMEM((B_PER_W,), jnp.float32),
        pltpu.VMEM((B_PER_W,), jnp.int32),
        pltpu.VMEM((B_PER_W, DIM), jnp.float32),
        pltpu.SemaphoreType.DMA,
        [pltpu.SemaphoreType.DMA] * NCHUNK,
        pltpu.SemaphoreType.DMA,
    ],
)
def _encode(t_hbm, emb_hbm, out_hbm, t_v, idx_v, rows_v, tsem, gsems, wsem):
    wid = lax.axis_index("s") * NC + lax.axis_index("c")
    base = wid * B_PER_W

    pltpu.async_copy(t_hbm.at[pl.ds(base, B_PER_W)], t_v, tsem).wait()

    gathers = []
    for c in range(NCHUNK):
        off, n = OFFS[c], CHUNKS[c]
        for j in range(n // LANES):
            tv = t_v[pl.ds(off + j * LANES, LANES)]
            idx_v[pl.ds(off + j * LANES, LANES)] = (tv * _SCALE).astype(jnp.int32)
        gathers.append(
            pltpu.async_copy(
                emb_hbm.at[idx_v.at[pl.ds(off, n)]],
                rows_v.at[pl.ds(off, n)],
                gsems[c],
            )
        )

    writebacks = []
    for c in range(NCHUNK):
        off, n = OFFS[c], CHUNKS[c]
        gathers[c].wait()
        writebacks.append(
            pltpu.async_copy(
                rows_v.at[pl.ds(off, n)],
                out_hbm.at[pl.ds(base + off, n)],
                wsem,
            )
        )
    for w in writebacks:
        w.wait()


def kernel(t, emb):
    return _encode(t, emb)

# --- scband reference (transcript-rebuilt; emitter-appended) ---
"""Pipeline reference for scband-time-slot-encoder-18717467476611 (READ-ONLY COPY).

The authoritative reference and input builder live on the scoring server;
editing this copy changes nothing except your own understanding.
"""

import jax, jax.numpy as jnp
import numpy as np

MAX_TIME = 1.0
TIME_NUM = 100000
DIM = 128
BATCH = 16384


def setup_inputs(seed: int = 0) -> dict:
    key = jax.random.key(seed)
    k1, k2 = jax.random.split(key)
    # timestamps in [0, MAX_TIME)
    t = jax.random.uniform(k1, (BATCH,), dtype=jnp.float32) * MAX_TIME
    # learned embedding table (nn.Embedding weight), default init ~ N(0, 1)
    emb = jax.random.normal(k2, (TIME_NUM, DIM), dtype=jnp.float32)
    return {"t": t, "emb": emb}


def reference(t, emb):
    # t = (t / max_time * (time_num - 1)).to(torch.long)
    idx = (t / MAX_TIME * (TIME_NUM - 1)).astype(jnp.int32)
    # return self.emb(t)
    return jnp.take(emb, idx, axis=0)

if __name__ == "__main__":
    import jax
    _d = setup_inputs()
    print(jax.jit(kernel)(*tuple(_d.values())))

</pallas_src>

<mosaic_0001>
#map = affine_map<(d0, d1) -> (0)>
#map1 = affine_map<(d0, d1) -> (0, 0)>
module attributes {stable_mosaic.version = 14 : i64} {
  func.func @_encode(%arg0: i32, %arg1: i32, %arg2: memref<16384xf32, #tpu.memory_space<hbm>>, %arg3: memref<100000x128xf32, #tpu.memory_space<hbm>>, %arg4: memref<16384x128xf32, #tpu.memory_space<hbm>>, %arg5: memref<512xf32, #tpu.memory_space<vmem>>, %arg6: memref<512xi32, #tpu.memory_space<vmem>>, %arg7: memref<512x128xf32, #tpu.memory_space<vmem>>, %arg8: memref<!tpu.dma_semaphore, #tpu.memory_space<semaphore_mem>>, %arg9: memref<!tpu.dma_semaphore, #tpu.memory_space<semaphore_mem>>, %arg10: memref<!tpu.dma_semaphore, #tpu.memory_space<semaphore_mem>>, %arg11: memref<!tpu.dma_semaphore, #tpu.memory_space<semaphore_mem>>, %arg12: memref<!tpu.dma_semaphore, #tpu.memory_space<semaphore_mem>>, %arg13: memref<!tpu.dma_semaphore, #tpu.memory_space<semaphore_mem>>) attributes {dimension_semantics = [#tpu.dimension_semantics<core_parallel>, #tpu.dimension_semantics<subcore_parallel>], iteration_bounds = array<i64: 2, 16>, scalar_prefetch = 0 : i64, scratch_operands = 9 : i64, tpu.core_type = #tpu.core_type<sc_vector_subcore>, window_params = [{transform_indices = #map}, {transform_indices = #map1}, {transform_indices = #map1}]} {
    %mul3A = arith.constant 2 : i32
    %mul3A_0 = arith.muli %arg1, %mul3A : i32
    %add3A = arith.addi %mul3A_0, %arg0 : i32
    %mul3A_1 = arith.constant 512 : i32
    %mul3A_2 = arith.muli %add3A, %mul3A_1 : i32
    %dma_start3A = tpu.memref_slice %arg2[%mul3A_2] : memref<16384xf32, #tpu.memory_space<hbm>> -> memref<512xf32, #tpu.memory_space<hbm>>
    %dma_start3A_3 = tpu.memref_slice %arg2[%mul3A_2] : memref<16384xf32, #tpu.memory_space<hbm>> -> memref<512xf32, #tpu.memory_space<hbm>>
    tpu.enqueue_dma source(%dma_start3A_3 : memref<512xf32, #tpu.memory_space<hbm>>) target(%arg5 : memref<512xf32, #tpu.memory_space<vmem>>) target_semaphore(%arg8 : memref<!tpu.dma_semaphore, #tpu.memory_space<semaphore_mem>>)
    %dma_wait3A = tpu.memref_slice %arg2[%mul3A_2] : memref<16384xf32, #tpu.memory_space<hbm>> -> memref<512xf32, #tpu.memory_space<hbm>>
    %dma_wait3A_4 = tpu.memref_slice %arg2[%mul3A_2] : memref<16384xf32, #tpu.memory_space<hbm>> -> memref<512xf32, #tpu.memory_space<hbm>>
    tpu.wait_dma2 semaphore(%arg8 : memref<!tpu.dma_semaphore, #tpu.memory_space<semaphore_mem>>) src(%dma_wait3A_4 : memref<512xf32, #tpu.memory_space<hbm>>) dst(%arg5 : memref<512xf32, #tpu.memory_space<vmem>>)
    %get3A = arith.constant 0 : index
    %get3A_5 = tpu.vector_load %arg5[%get3A] {strides = array<i32>} : memref<512xf32, #tpu.memory_space<vmem>>, vector<16xf32>,
    %get3A_6 = vector.shape_cast %get3A_5 : vector<16xf32> to vector<16xf32>
    %mul3A_7 = arith.constant 9.999900e+04 : f32
    %mul3A_8 = vector.broadcast %mul3A_7 : f32 to vector<16xf32>
    %mul3A_9 = arith.mulf %get3A_6, %mul3A_8 : vector<16xf32>
    %convert_element_type3A = arith.fptosi %mul3A_9 : vector<16xf32> to vector<16xi32>
    %swap3A = arith.constant 0 : index
    %swap3A_10 = tpu.vector_load %arg6[%swap3A] {strides = array<i32>} : memref<512xi32, #tpu.memory_space<vmem>>, vector<16xi32>,
    %swap3A_11 = vector.shape_cast %swap3A_10 : vector<16xi32> to vector<16xi32>
    %swap3A_12 = vector.shape_cast %convert_element_type3A : vector<16xi32> to vector<16xi32>
    tpu.vector_store %arg6[%swap3A], %swap3A_12 {strides = array<i32>} : memref<512xi32, #tpu.memory_space<vmem>>, vector<16xi32>,
    %get3A_13 = arith.constant 16 : index
    %get3A_14 = tpu.vector_load %arg5[%get3A_13] {strides = array<i32>} : memref<512xf32, #tpu.memory_space<vmem>>, vector<16xf32>,
    %get3A_15 = vector.shape_cast %get3A_14 : vector<16xf32> to vector<16xf32>
    %mul3A_16 = arith.constant 9.999900e+04 : f32
    %mul3A_17 = vector.broadcast %mul3A_16 : f32 to vector<16xf32>
    %mul3A_18 = arith.mulf %get3A_15, %mul3A_17 : vector<16xf32>
    %convert_element_type3A_19 = arith.fptosi %mul3A_18 : vector<16xf32> to vector<16xi32>
    %swap3A_20 = arith.constant 16 : index
    %swap3A_21 = tpu.vector_load %arg6[%swap3A_20] {strides = array<i32>} : memref<512xi32, #tpu.memory_space<vmem>>, vector<16xi32>,
    %swap3A_22 = vector.shape_cast %swap3A_21 : vector<16xi32> to vector<16xi32>
    %swap3A_23 = vector.shape_cast %convert_element_type3A_19 : vector<16xi32> to vector<16xi32>
    tpu.vector_store %arg6[%swap3A_20], %swap3A_23 {strides = array<i32>} : memref<512xi32, #tpu.memory_space<vmem>>, vector<16xi32>,
    %get3A_24 = arith.constant 32 : index
    %get3A_25 = tpu.vector_load %arg5[%get3A_24] {strides = array<i32>} : memref<512xf32, #tpu.memory_space<vmem>>, vector<16xf32>,
    %get3A_26 = vector.shape_cast %get3A_25 : vector<16xf32> to vector<16xf32>
    %mul3A_27 = arith.constant 9.999900e+04 : f32
    %mul3A_28 = vector.broadcast %mul3A_27 : f32 to vector<16xf32>
    %mul3A_29 = arith.mulf %get3A_26, %mul3A_28 : vector<16xf32>
    %convert_element_type3A_30 = arith.fptosi %mul3A_29 : vector<16xf32> to vector<16xi32>
    %swap3A_31 = arith.constant 32 : index
    %swap3A_32 = tpu.vector_load %arg6[%swap3A_31] {strides = array<i32>} : memref<512xi32, #tpu.memory_space<vmem>>, vector<16xi32>,
    %swap3A_33 = vector.shape_cast %swap3A_32 : vector<16xi32> to vector<16xi32>
    %swap3A_34 = vector.shape_cast %convert_element_type3A_30 : vector<16xi32> to vector<16xi32>
    tpu.vector_store %arg6[%swap3A_31], %swap3A_34 {strides = array<i32>} : memref<512xi32, #tpu.memory_space<vmem>>, vector<16xi32>,
    %get3A_35 = arith.constant 48 : index
    %get3A_36 = tpu.vector_load %arg5[%get3A_35] {strides = array<i32>} : memref<512xf32, #tpu.memory_space<vmem>>, vector<16xf32>,
    %get3A_37 = vector.shape_cast %get3A_36 : vector<16xf32> to vector<16xf32>
    %mul3A_38 = arith.constant 9.999900e+04 : f32
    %mul3A_39 = vector.broadcast %mul3A_38 : f32 to vector<16xf32>
    %mul3A_40 = arith.mulf %get3A_37, %mul3A_39 : vector<16xf32>
    %convert_element_type3A_41 = arith.fptosi %mul3A_40 : vector<16xf32> to vector<16xi32>
    %swap3A_42 = arith.constant 48 : index
    %swap3A_43 = tpu.vector_load %arg6[%swap3A_42] {strides = array<i32>} : memref<512xi32, #tpu.memory_space<vmem>>, vector<16xi32>,
    %swap3A_44 = vector.shape_cast %swap3A_43 : vector<16xi32> to vector<16xi32>
    %swap3A_45 = vector.shape_cast %convert_element_type3A_41 : vector<16xi32> to vector<16xi32>
    tpu.vector_store %arg6[%swap3A_42], %swap3A_45 {strides = array<i32>} : memref<512xi32, #tpu.memory_space<vmem>>, vector<16xi32>,
    %get3A_46 = arith.constant 64 : index
    %get3A_47 = tpu.vector_load %arg5[%get3A_46] {strides = array<i32>} : memref<512xf32, #tpu.memory_space<vmem>>, vector<16xf32>,
    %get3A_48 = vector.shape_cast %get3A_47 : vector<16xf32> to vector<16xf32>
    %mul3A_49 = arith.constant 9.999900e+04 : f32
    %mul3A_50 = vector.broadcast %mul3A_49 : f32 to vector<16xf32>
    %mul3A_51 = arith.mulf %get3A_48, %mul3A_50 : vector<16xf32>
    %convert_element_type3A_52 = arith.fptosi %mul3A_51 : vector<16xf32> to vector<16xi32>
    %swap3A_53 = arith.constant 64 : index
    %swap3A_54 = tpu.vector_load %arg6[%swap3A_53] {strides = array<i32>} : memref<512xi32, #tpu.memory_space<vmem>>, vector<16xi32>,
    %swap3A_55 = vector.shape_cast %swap3A_54 : vector<16xi32> to vector<16xi32>
    %swap3A_56 = vector.shape_cast %convert_element_type3A_52 : vector<16xi32> to vector<16xi32>
    tpu.vector_store %arg6[%swap3A_53], %swap3A_56 {strides = array<i32>} : memref<512xi32, #tpu.memory_space<vmem>>, vector<16xi32>,
    %get3A_57 = arith.constant 80 : index
    %get3A_58 = tpu.vector_load %arg5[%get3A_57] {strides = array<i32>} : memref<512xf32, #tpu.memory_space<vmem>>, vector<16xf32>,
    %get3A_59 = vector.shape_cast %get3A_58 : vector<16xf32> to vector<16xf32>
    %mul3A_60 = arith.constant 9.999900e+04 : f32
    %mul3A_61 = vector.broadcast %mul3A_60 : f32 to vector<16xf32>
    %mul3A_62 = arith.mulf %get3A_59, %mul3A_61 : vector<16xf32>
    %convert_element_type3A_63 = arith.fptosi %mul3A_62 : vector<16xf32> to vector<16xi32>
    %swap3A_64 = arith.constant 80 : index
    %swap3A_65 = tpu.vector_load %arg6[%swap3A_64] {strides = array<i32>} : memref<512xi32, #tpu.memory_space<vmem>>, vector<16xi32>,
    %swap3A_66 = vector.shape_cast %swap3A_65 : vector<16xi32> to vector<16xi32>
    %swap3A_67 = vector.shape_cast %convert_element_type3A_63 : vector<16xi32> to vector<16xi32>
    tpu.vector_store %arg6[%swap3A_64], %swap3A_67 {strides = array<i32>} : memref<512xi32, #tpu.memory_space<vmem>>, vector<16xi32>,
    %get3A_68 = arith.constant 96 : index
    %get3A_69 = tpu.vector_load %arg5[%get3A_68] {strides = array<i32>} : memref<512xf32, #tpu.memory_space<vmem>>, vector<16xf32>,
    %get3A_70 = vector.shape_cast %get3A_69 : vector<16xf32> to vector<16xf32>
    %mul3A_71 = arith.constant 9.999900e+04 : f32
    %mul3A_72 = vector.broadcast %mul3A_71 : f32 to vector<16xf32>
    %mul3A_73 = arith.mulf %get3A_70, %mul3A_72 : vector<16xf32>
    %convert_element_type3A_74 = arith.fptosi %mul3A_73 : vector<16xf32> to vector<16xi32>
    %swap3A_75 = arith.constant 96 : index
    %swap3A_76 = tpu.vector_load %arg6[%swap3A_75] {strides = array<i32>} : memref<512xi32, #tpu.memory_space<vmem>>, vector<16xi32>,
    %swap3A_77 = vector.shape_cast %swap3A_76 : vector<16xi32> to vector<16xi32>
    %swap3A_78 = vector.shape_cast %convert_element_type3A_74 : vector<16xi32> to vector<16xi32>
    tpu.vector_store %arg6[%swap3A_75], %swap3A_78 {strides = array<i32>} : memref<512xi32, #tpu.memory_space<vmem>>, vector<16xi32>,
    %get3A_79 = arith.constant 112 : index
    %get3A_80 = tpu.vector_load %arg5[%get3A_79] {strides = array<i32>} : memref<512xf32, #tpu.memory_space<vmem>>, vector<16xf32>,
    %get3A_81 = vector.shape_cast %get3A_80 : vector<16xf32> to vector<16xf32>
    %mul3A_82 = arith.constant 9.999900e+04 : f32
    %mul3A_83 = vector.broadcast %mul3A_82 : f32 to vector<16xf32>
    %mul3A_84 = arith.mulf %get3A_81, %mul3A_83 : vector<16xf32>
    %convert_element_type3A_85 = arith.fptosi %mul3A_84 : vector<16xf32> to vector<16xi32>
    %swap3A_86 = arith.constant 112 : index
    %swap3A_87 = tpu.vector_load %arg6[%swap3A_86] {strides = array<i32>} : memref<512xi32, #tpu.memory_space<vmem>>, vector<16xi32>,
    %swap3A_88 = vector.shape_cast %swap3A_87 : vector<16xi32> to vector<16xi32>
    %swap3A_89 = vector.shape_cast %convert_element_type3A_85 : vector<16xi32> to vector<16xi32>
    tpu.vector_store %arg6[%swap3A_86], %swap3A_89 {strides = array<i32>} : memref<512xi32, #tpu.memory_space<vmem>>, vector<16xi32>,
    %dma_start3A_90 = arith.constant 0 : i32
    %dma_start3A_91 = arith.constant 0 : i32
    %dma_start3A_92 = tpu.memref_slice %arg7[%dma_start3A_90, %dma_start3A_91] : memref<512x128xf32, #tpu.memory_space<vmem>> -> memref<128x128xf32, #tpu.memory_space<vmem>>
    %dma_start3A_93 = arith.constant 0 : i32
    %dma_start3A_94 = tpu.memref_slice %arg6[%dma_start3A_93] : memref<512xi32, #tpu.memory_space<vmem>> -> memref<128xi32, #tpu.memory_space<vmem>>
    %dma_start3A_95 = arith.constant 0 : i32
    %dma_start3A_96 = arith.constant 0 : i32
    %dma_start3A_97 = tpu.memref_slice %arg3[%dma_start3A_95, %dma_start3A_96] : memref<100000x128xf32, #tpu.memory_space<hbm>> -> memref<100000x128xf32, #tpu.memory_space<hbm>>
    tpu.enqueue_indirect_dma source(%dma_start3A_97 : memref<100000x128xf32, #tpu.memory_space<hbm>>) target(%dma_start3A_92 : memref<128x128xf32, #tpu.memory_space<vmem>>) offsets(%dma_start3A_94 : memref<128xi32, #tpu.memory_space<vmem>>) semaphore(%arg9 : memref<!tpu.dma_semaphore, #tpu.memory_space<semaphore_mem>>)
    %get3A_98 = arith.constant 128 : index
    %get3A_99 = tpu.vector_load %arg5[%get3A_98] {strides = array<i32>} : memref<512xf32, #tpu.memory_space<vmem>>, vector<16xf32>,
    %get3A_100 = vector.shape_cast %get3A_99 : vector<16xf32> to vector<16xf32>
    %mul3A_101 = arith.constant 9.999900e+04 : f32
    %mul3A_102 = vector.broadcast %mul3A_101 : f32 to vector<16xf32>
    %mul3A_103 = arith.mulf %get3A_100, %mul3A_102 : vector<16xf32>
    %convert_element_type3A_104 = arith.fptosi %mul3A_103 : vector<16xf32> to vector<16xi32>
    %swap3A_105 = arith.constant 128 : index
    %swap3A_106 = tpu.vector_load %arg6[%swap3A_105] {strides = array<i32>} : memref<512xi32, #tpu.memory_space<vmem>>, vector<16xi32>,
    %swap3A_107 = vector.shape_cast %swap3A_106 : vector<16xi32> to vector<16xi32>
    %swap3A_108 = vector.shape_cast %convert_element_type3A_104 : vector<16xi32> to vector<16xi32>
    tpu.vector_store %arg6[%swap3A_105], %swap3A_108 {strides = array<i32>} : memref<512xi32, #tpu.memory_space<vmem>>, vector<16xi32>,
    %get3A_109 = arith.constant 144 : index
    %get3A_110 = tpu.vector_load %arg5[%get3A_109] {strides = array<i32>} : memref<512xf32, #tpu.memory_space<vmem>>, vector<16xf32>,
    %get3A_111 = vector.shape_cast %get3A_110 : vector<16xf32> to vector<16xf32>
    %mul3A_112 = arith.constant 9.999900e+04 : f32
    %mul3A_113 = vector.broadcast %mul3A_112 : f32 to vector<16xf32>
    %mul3A_114 = arith.mulf %get3A_111, %mul3A_113 : vector<16xf32>
    %convert_element_type3A_115 = arith.fptosi %mul3A_114 : vector<16xf32> to vector<16xi32>
    %swap3A_116 = arith.constant 144 : index
    %swap3A_117 = tpu.vector_load %arg6[%swap3A_116] {strides = array<i32>} : memref<512xi32, #tpu.memory_space<vmem>>, vector<16xi32>,
    %swap3A_118 = vector.shape_cast %swap3A_117 : vector<16xi32> to vector<16xi32>
    %swap3A_119 = vector.shape_cast %convert_element_type3A_115 : vector<16xi32> to vector<16xi32>
    tpu.vector_store %arg6[%swap3A_116], %swap3A_119 {strides = array<i32>} : memref<512xi32, #tpu.memory_space<vmem>>, vector<16xi32>,
    %get3A_120 = arith.constant 160 : index
    %get3A_121 = tpu.vector_load %arg5[%get3A_120] {strides = array<i32>} : memref<512xf32, #tpu.memory_space<vmem>>, vector<16xf32>,
    %get3A_122 = vector.shape_cast %get3A_121 : vector<16xf32> to vector<16xf32>
    %mul3A_123 = arith.constant 9.999900e+04 : f32
    %mul3A_124 = vector.broadcast %mul3A_123 : f32 to vector<16xf32>
    %mul3A_125 = arith.mulf %get3A_122, %mul3A_124 : vector<16xf32>
    %convert_element_type3A_126 = arith.fptosi %mul3A_125 : vector<16xf32> to vector<16xi32>
    %swap3A_127 = arith.constant 160 : index
    %swap3A_128 = tpu.vector_load %arg6[%swap3A_127] {strides = array<i32>} : memref<512xi32, #tpu.memory_space<vmem>>, vector<16xi32>,
    %swap3A_129 = vector.shape_cast %swap3A_128 : vector<16xi32> to vector<16xi32>
    %swap3A_130 = vector.shape_cast %convert_element_type3A_126 : vector<16xi32> to vector<16xi32>
    tpu.vector_store %arg6[%swap3A_127], %swap3A_130 {strides = array<i32>} : memref<512xi32, #tpu.memory_space<vmem>>, vector<16xi32>,
    %get3A_131 = arith.constant 176 : index
    %get3A_132 = tpu.vector_load %arg5[%get3A_131] {strides = array<i32>} : memref<512xf32, #tpu.memory_space<vmem>>, vector<16xf32>,
    %get3A_133 = vector.shape_cast %get3A_132 : vector<16xf32> to vector<16xf32>
    %mul3A_134 = arith.constant 9.999900e+04 : f32
    %mul3A_135 = vector.broadcast %mul3A_134 : f32 to vector<16xf32>
    %mul3A_136 = arith.mulf %get3A_133, %mul3A_135 : vector<16xf32>
    %convert_element_type3A_137 = arith.fptosi %mul3A_136 : vector<16xf32> to vector<16xi32>
    %swap3A_138 = arith.constant 176 : index
    %swap3A_139 = tpu.vector_load %arg6[%swap3A_138] {strides = array<i32>} : memref<512xi32, #tpu.memory_space<vmem>>, vector<16xi32>,
    %swap3A_140 = vector.shape_cast %swap3A_139 : vector<16xi32> to vector<16xi32>
    %swap3A_141 = vector.shape_cast %convert_element_type3A_137 : vector<16xi32> to vector<16xi32>
    tpu.vector_store %arg6[%swap3A_138], %swap3A_141 {strides = array<i32>} : memref<512xi32, #tpu.memory_space<vmem>>, vector<16xi32>,
    %get3A_142 = arith.constant 192 : index
    %get3A_143 = tpu.vector_load %arg5[%get3A_142] {strides = array<i32>} : memref<512xf32, #tpu.memory_space<vmem>>, vector<16xf32>,
    %get3A_144 = vector.shape_cast %get3A_143 : vector<16xf32> to vector<16xf32>
    %mul3A_145 = arith.constant 9.999900e+04 : f32
    %mul3A_146 = vector.broadcast %mul3A_145 : f32 to vector<16xf32>
    %mul3A_147 = arith.mulf %get3A_144, %mul3A_146 : vector<16xf32>
    %convert_element_type3A_148 = arith.fptosi %mul3A_147 : vector<16xf32> to vector<16xi32>
    %swap3A_149 = arith.constant 192 : index
    %swap3A_150 = tpu.vector_load %arg6[%swap3A_149] {strides = array<i32>} : memref<512xi32, #tpu.memory_space<vmem>>, vector<16xi32>,
    %swap3A_151 = vector.shape_cast %swap3A_150 : vector<16xi32> to vector<16xi32>
    %swap3A_152 = vector.shape_cast %convert_element_type3A_148 : vector<16xi32> to vector<16xi32>
    tpu.vector_store %arg6[%swap3A_149], %swap3A_152 {strides = array<i32>} : memref<512xi32, #tpu.memory_space<vmem>>, vector<16xi32>,
    %get3A_153 = arith.constant 208 : index
    %get3A_154 = tpu.vector_load %arg5[%get3A_153] {strides = array<i32>} : memref<512xf32, #tpu.memory_space<vmem>>, vector<16xf32>,
    %get3A_155 = vector.shape_cast %get3A_154 : vector<16xf32> to vector<16xf32>
    %mul3A_156 = arith.constant 9.999900e+04 : f32
    %mul3A_157 = vector.broadcast %mul3A_156 : f32 to vector<16xf32>
    %mul3A_158 = arith.mulf %get3A_155, %mul3A_157 : vector<16xf32>
    %convert_element_type3A_159 = arith.fptosi %mul3A_158 : vector<16xf32> to vector<16xi32>
    %swap3A_160 = arith.constant 208 : index
    %swap3A_161 = tpu.vector_load %arg6[%swap3A_160] {strides = array<i32>} : memref<512xi32, #tpu.memory_space<vmem>>, vector<16xi32>,
    %swap3A_162 = vector.shape_cast %swap3A_161 : vector<16xi32> to vector<16xi32>
    %swap3A_163 = vector.shape_cast %convert_element_type3A_159 : vector<16xi32> to vector<16xi32>
    tpu.vector_store %arg6[%swap3A_160], %swap3A_163 {strides = array<i32>} : memref<512xi32, #tpu.memory_space<vmem>>, vector<16xi32>,
    %get3A_164 = arith.constant 224 : index
    %get3A_165 = tpu.vector_load %arg5[%get3A_164] {strides = array<i32>} : memref<512xf32, #tpu.memory_space<vmem>>, vector<16xf32>,
    %get3A_166 = vector.shape_cast %get3A_165 : vector<16xf32> to vector<16xf32>
    %mul3A_167 = arith.constant 9.999900e+04 : f32
    %mul3A_168 = vector.broadcast %mul3A_167 : f32 to vector<16xf32>
    %mul3A_169 = arith.mulf %get3A_166, %mul3A_168 : vector<16xf32>
    %convert_element_type3A_170 = arith.fptosi %mul3A_169 : vector<16xf32> to vector<16xi32>
    %swap3A_171 = arith.constant 224 : index
    %swap3A_172 = tpu.vector_load %arg6[%swap3A_171] {strides = array<i32>} : memref<512xi32, #tpu.memory_space<vmem>>, vector<16xi32>,
    %swap3A_173 = vector.shape_cast %swap3A_172 : vector<16xi32> to vector<16xi32>
    %swap3A_174 = vector.shape_cast %convert_element_type3A_170 : vector<16xi32> to vector<16xi32>
    tpu.vector_store %arg6[%swap3A_171], %swap3A_174 {strides = array<i32>} : memref<512xi32, #tpu.memory_space<vmem>>, vector<16xi32>,
    %get3A_175 = arith.constant 240 : index
    %get3A_176 = tpu.vector_load %arg5[%get3A_175] {strides = array<i32>} : memref<512xf32, #tpu.memory_space<vmem>>, vector<16xf32>,
    %get3A_177 = vector.shape_cast %get3A_176 : vector<16xf32> to vector<16xf32>
    %mul3A_178 = arith.constant 9.999900e+04 : f32
    %mul3A_179 = vector.broadcast %mul3A_178 : f32 to vector<16xf32>
    %mul3A_180 = arith.mulf %get3A_177, %mul3A_179 : vector<16xf32>
    %convert_element_type3A_181 = arith.fptosi %mul3A_180 : vector<16xf32> to vector<16xi32>
    %swap3A_182 = arith.constant 240 : index
    %swap3A_183 = tpu.vector_load %arg6[%swap3A_182] {strides = array<i32>} : memref<512xi32, #tpu.memory_space<vmem>>, vector<16xi32>,
    %swap3A_184 = vector.shape_cast %swap3A_183 : vector<16xi32> to vector<16xi32>
    %swap3A_185 = vector.shape_cast %convert_element_type3A_181 : vector<16xi32> to vector<16xi32>
    tpu.vector_store %arg6[%swap3A_182], %swap3A_185 {strides = array<i32>} : memref<512xi32, #tpu.memory_space<vmem>>, vector<16xi32>,
    %dma_start3A_186 = arith.constant 128 : i32
    %dma_start3A_187 = arith.constant 0 : i32
    %dma_start3A_188 = tpu.memref_slice %arg7[%dma_start3A_186, %dma_start3A_187] : memref<512x128xf32, #tpu.memory_space<vmem>> -> memref<128x128xf32, #tpu.memory_space<vmem>>
    %dma_start3A_189 = arith.constant 128 : i32
    %dma_start3A_190 = tpu.memref_slice %arg6[%dma_start3A_189] : memref<512xi32, #tpu.memory_space<vmem>> -> memref<128xi32, #tpu.memory_space<vmem>>
    %dma_start3A_191 = arith.constant 0 : i32
    %dma_start3A_192 = arith.constant 0 : i32
    %dma_start3A_193 = tpu.memref_slice %arg3[%dma_start3A_191, %dma_start3A_192] : memref<100000x128xf32, #tpu.memory_space<hbm>> -> memref<100000x128xf32, #tpu.memory_space<hbm>>
    tpu.enqueue_indirect_dma source(%dma_start3A_193 : memref<100000x128xf32, #tpu.memory_space<hbm>>) target(%dma_start3A_188 : memref<128x128xf32, #tpu.memory_space<vmem>>) offsets(%dma_start3A_190 : memref<128xi32, #tpu.memory_space<vmem>>) semaphore(%arg10 : memref<!tpu.dma_semaphore, #tpu.memory_space<semaphore_mem>>)
    %get3A_194 = arith.constant 256 : index
    %get3A_195 = tpu.vector_load %arg5[%get3A_194] {strides = array<i32>} : memref<512xf32, #tpu.memory_space<vmem>>, vector<16xf32>,
    %get3A_196 = vector.shape_cast %get3A_195 : vector<16xf32> to vector<16xf32>
    %mul3A_197 = arith.constant 9.999900e+04 : f32
    %mul3A_198 = vector.broadcast %mul3A_197 : f32 to vector<16xf32>
    %mul3A_199 = arith.mulf %get3A_196, %mul3A_198 : vector<16xf32>
    %convert_element_type3A_200 = arith.fptosi %mul3A_199 : vector<16xf32> to vector<16xi32>
    %swap3A_201 = arith.constant 256 : index
    %swap3A_202 = tpu.vector_load %arg6[%swap3A_201] {strides = array<i32>} : memref<512xi32, #tpu.memory_space<vmem>>, vector<16xi32>,
    %swap3A_203 = vector.shape_cast %swap3A_202 : vector<16xi32> to vector<16xi32>
    %swap3A_204 = vector.shape_cast %convert_element_type3A_200 : vector<16xi32> to vector<16xi32>
    tpu.vector_store %arg6[%swap3A_201], %swap3A_204 {strides = array<i32>} : memref<512xi32, #tpu.memory_space<vmem>>, vector<16xi32>,
    %get3A_205 = arith.constant 272 : index
    %get3A_206 = tpu.vector_load %arg5[%get3A_205] {strides = array<i32>} : memref<512xf32, #tpu.memory_space<vmem>>, vector<16xf32>,
    %get3A_207 = vector.shape_cast %get3A_206 : vector<16xf32> to vector<16xf32>
    %mul3A_208 = arith.constant 9.999900e+04 : f32
    %mul3A_209 = vector.broadcast %mul3A_208 : f32 to vector<16xf32>
    %mul3A_210 = arith.mulf %get3A_207, %mul3A_209 : vector<16xf32>
    %convert_element_type3A_211 = arith.fptosi %mul3A_210 : vector<16xf32> to vector<16xi32>
    %swap3A_212 = arith.constant 272 : index
    %swap3A_213 = tpu.vector_load %arg6[%swap3A_212] {strides = array<i32>} : memref<512xi32, #tpu.memory_space<vmem>>, vector<16xi32>,
    %swap3A_214 = vector.shape_cast %swap3A_213 : vector<16xi32> to vector<16xi32>
    %swap3A_215 = vector.shape_cast %convert_element_type3A_211 : vector<16xi32> to vector<16xi32>
    tpu.vector_store %arg6[%swap3A_212], %swap3A_215 {strides = array<i32>} : memref<512xi32, #tpu.memory_space<vmem>>, vector<16xi32>,
    %get3A_216 = arith.constant 288 : index
    %get3A_217 = tpu.vector_load %arg5[%get3A_216] {strides = array<i32>} : memref<512xf32, #tpu.memory_space<vmem>>, vector<16xf32>,
    %get3A_218 = vector.shape_cast %get3A_217 : vector<16xf32> to vector<16xf32>
    %mul3A_219 = arith.constant 9.999900e+04 : f32
    %mul3A_220 = vector.broadcast %mul3A_219 : f32 to vector<16xf32>
    %mul3A_221 = arith.mulf %get3A_218, %mul3A_220 : vector<16xf32>
    %convert_element_type3A_222 = arith.fptosi %mul3A_221 : vector<16xf32> to vector<16xi32>
    %swap3A_223 = arith.constant 288 : index
    %swap3A_224 = tpu.vector_load %arg6[%swap3A_223] {strides = array<i32>} : memref<512xi32, #tpu.memory_space<vmem>>, vector<16xi32>,
    %swap3A_225 = vector.shape_cast %swap3A_224 : vector<16xi32> to vector<16xi32>
    %swap3A_226 = vector.shape_cast %convert_element_type3A_222 : vector<16xi32> to vector<16xi32>
    tpu.vector_store %arg6[%swap3A_223], %swap3A_226 {strides = array<i32>} : memref<512xi32, #tpu.memory_space<vmem>>, vector<16xi32>,
    %get3A_227 = arith.constant 304 : index
    %get3A_228 = tpu.vector_load %arg5[%get3A_227] {strides = array<i32>} : memref<512xf32, #tpu.memory_space<vmem>>, vector<16xf32>,
    %get3A_229 = vector.shape_cast %get3A_228 : vector<16xf32> to vector<16xf32>
    %mul3A_230 = arith.constant 9.999900e+04 : f32
    %mul3A_231 = vector.broadcast %mul3A_230 : f32 to vector<16xf32>
    %mul3A_232 = arith.mulf %get3A_229, %mul3A_231 : vector<16xf32>
    %convert_element_type3A_233 = arith.fptosi %mul3A_232 : vector<16xf32> to vector<16xi32>
    %swap3A_234 = arith.constant 304 : index
    %swap3A_235 = tpu.vector_load %arg6[%swap3A_234] {strides = array<i32>} : memref<512xi32, #tpu.memory_space<vmem>>, vector<16xi32>,
    %swap3A_236 = vector.shape_cast %swap3A_235 : vector<16xi32> to vector<16xi32>
    %swap3A_237 = vector.shape_cast %convert_element_type3A_233 : vector<16xi32> to vector<16xi32>
    tpu.vector_store %arg6[%swap3A_234], %swap3A_237 {strides = array<i32>} : memref<512xi32, #tpu.memory_space<vmem>>, vector<16xi32>,
    %get3A_238 = arith.constant 320 : index
    %get3A_239 = tpu.vector_load %arg5[%get3A_238] {strides = array<i32>} : memref<512xf32, #tpu.memory_space<vmem>>, vector<16xf32>,
    %get3A_240 = vector.shape_cast %get3A_239 : vector<16xf32> to vector<16xf32>
    %mul3A_241 = arith.constant 9.999900e+04 : f32
    %mul3A_242 = vector.broadcast %mul3A_241 : f32 to vector<16xf32>
    %mul3A_243 = arith.mulf %get3A_240, %mul3A_242 : vector<16xf32>
    %convert_element_type3A_244 = arith.fptosi %mul3A_243 : vector<16xf32> to vector<16xi32>
    %swap3A_245 = arith.constant 320 : index
    %swap3A_246 = tpu.vector_load %arg6[%swap3A_245] {strides = array<i32>} : memref<512xi32, #tpu.memory_space<vmem>>, vector<16xi32>,
    %swap3A_247 = vector.shape_cast %swap3A_246 : vector<16xi32> to vector<16xi32>
    %swap3A_248 = vector.shape_cast %convert_element_type3A_244 : vector<16xi32> to vector<16xi32>
    tpu.vector_store %arg6[%swap3A_245], %swap3A_248 {strides = array<i32>} : memref<512xi32, #tpu.memory_space<vmem>>, vector<16xi32>,
    %get3A_249 = arith.constant 336 : index
    %get3A_250 = tpu.vector_load %arg5[%get3A_249] {strides = array<i32>} : memref<512xf32, #tpu.memory_space<vmem>>, vector<16xf32>,
    %get3A_251 = vector.shape_cast %get3A_250 : vector<16xf32> to vector<16xf32>
    %mul3A_252 = arith.constant 9.999900e+04 : f32
    %mul3A_253 = vector.broadcast %mul3A_252 : f32 to vector<16xf32>
    %mul3A_254 = arith.mulf %get3A_251, %mul3A_253 : vector<16xf32>
    %convert_element_type3A_255 = arith.fptosi %mul3A_254 : vector<16xf32> to vector<16xi32>
    %swap3A_256 = arith.constant 336 : index
    %swap3A_257 = tpu.vector_load %arg6[%swap3A_256] {strides = array<i32>} : memref<512xi32, #tpu.memory_space<vmem>>, vector<16xi32>,
    %swap3A_258 = vector.shape_cast %swap3A_257 : vector<16xi32> to vector<16xi32>
    %swap3A_259 = vector.shape_cast %convert_element_type3A_255 : vector<16xi32> to vector<16xi32>
    tpu.vector_store %arg6[%swap3A_256], %swap3A_259 {strides = array<i32>} : memref<512xi32, #tpu.memory_space<vmem>>, vector<16xi32>,
    %get3A_260 = arith.constant 352 : index
    %get3A_261 = tpu.vector_load %arg5[%get3A_260] {strides = array<i32>} : memref<512xf32, #tpu.memory_space<vmem>>, vector<16xf32>,
    %get3A_262 = vector.shape_cast %get3A_261 : vector<16xf32> to vector<16xf32>
    %mul3A_263 = arith.constant 9.999900e+04 : f32
    %mul3A_264 = vector.broadcast %mul3A_263 : f32 to vector<16xf32>
    %mul3A_265 = arith.mulf %get3A_262, %mul3A_264 : vector<16xf32>
    %convert_element_type3A_266 = arith.fptosi %mul3A_265 : vector<16xf32> to vector<16xi32>
    %swap3A_267 = arith.constant 352 : index
    %swap3A_268 = tpu.vector_load %arg6[%swap3A_267] {strides = array<i32>} : memref<512xi32, #tpu.memory_space<vmem>>, vector<16xi32>,
    %swap3A_269 = vector.shape_cast %swap3A_268 : vector<16xi32> to vector<16xi32>
    %swap3A_270 = vector.shape_cast %convert_element_type3A_266 : vector<16xi32> to vector<16xi32>
    tpu.vector_store %arg6[%swap3A_267], %swap3A_270 {strides = array<i32>} : memref<512xi32, #tpu.memory_space<vmem>>, vector<16xi32>,
    %get3A_271 = arith.constant 368 : index
    %get3A_272 = tpu.vector_load %arg5[%get3A_271] {strides = array<i32>} : memref<512xf32, #tpu.memory_space<vmem>>, vector<16xf32>,
    %get3A_273 = vector.shape_cast %get3A_272 : vector<16xf32> to vector<16xf32>
    %mul3A_274 = arith.constant 9.999900e+04 : f32
    %mul3A_275 = vector.broadcast %mul3A_274 : f32 to vector<16xf32>
    %mul3A_276 = arith.mulf %get3A_273, %mul3A_275 : vector<16xf32>
    %convert_element_type3A_277 = arith.fptosi %mul3A_276 : vector<16xf32> to vector<16xi32>
    %swap3A_278 = arith.constant 368 : index
    %swap3A_279 = tpu.vector_load %arg6[%swap3A_278] {strides = array<i32>} : memref<512xi32, #tpu.memory_space<vmem>>, vector<16xi32>,
    %swap3A_280 = vector.shape_cast %swap3A_279 : vector<16xi32> to vector<16xi32>
    %swap3A_281 = vector.shape_cast %convert_element_type3A_277 : vector<16xi32> to vector<16xi32>
    tpu.vector_store %arg6[%swap3A_278], %swap3A_281 {strides = array<i32>} : memref<512xi32, #tpu.memory_space<vmem>>, vector<16xi32>,
    %dma_start3A_282 = arith.constant 256 : i32
    %dma_start3A_283 = arith.constant 0 : i32
    %dma_start3A_284 = tpu.memref_slice %arg7[%dma_start3A_282, %dma_start3A_283] : memref<512x128xf32, #tpu.memory_space<vmem>> -> memref<128x128xf32, #tpu.memory_space<vmem>>
    %dma_start3A_285 = arith.constant 256 : i32
    %dma_start3A_286 = tpu.memref_slice %arg6[%dma_start3A_285] : memref<512xi32, #tpu.memory_space<vmem>> -> memref<128xi32, #tpu.memory_space<vmem>>
    %dma_start3A_287 = arith.constant 0 : i32
    %dma_start3A_288 = arith.constant 0 : i32
    %dma_start3A_289 = tpu.memref_slice %arg3[%dma_start3A_287, %dma_start3A_288] : memref<100000x128xf32, #tpu.memory_space<hbm>> -> memref<100000x128xf32, #tpu.memory_space<hbm>>
    tpu.enqueue_indirect_dma source(%dma_start3A_289 : memref<100000x128xf32, #tpu.memory_space<hbm>>) target(%dma_start3A_284 : memref<128x128xf32, #tpu.memory_space<vmem>>) offsets(%dma_start3A_286 : memref<128xi32, #tpu.memory_space<vmem>>) semaphore(%arg11 : memref<!tpu.dma_semaphore, #tpu.memory_space<semaphore_mem>>)
    %get3A_290 = arith.constant 384 : index
    %get3A_291 = tpu.vector_load %arg5[%get3A_290] {strides = array<i32>} : memref<512xf32, #tpu.memory_space<vmem>>, vector<16xf32>,
    %get3A_292 = vector.shape_cast %get3A_291 : vector<16xf32> to vector<16xf32>
    %mul3A_293 = arith.constant 9.999900e+04 : f32
    %mul3A_294 = vector.broadcast %mul3A_293 : f32 to vector<16xf32>
    %mul3A_295 = arith.mulf %get3A_292, %mul3A_294 : vector<16xf32>
    %convert_element_type3A_296 = arith.fptosi %mul3A_295 : vector<16xf32> to vector<16xi32>
    %swap3A_297 = arith.constant 384 : index
    %swap3A_298 = tpu.vector_load %arg6[%swap3A_297] {strides = array<i32>} : memref<512xi32, #tpu.memory_space<vmem>>, vector<16xi32>,
    %swap3A_299 = vector.shape_cast %swap3A_298 : vector<16xi32> to vector<16xi32>
    %swap3A_300 = vector.shape_cast %convert_element_type3A_296 : vector<16xi32> to vector<16xi32>
    tpu.vector_store %arg6[%swap3A_297], %swap3A_300 {strides = array<i32>} : memref<512xi32, #tpu.memory_space<vmem>>, vector<16xi32>,
    %get3A_301 = arith.constant 400 : index
    %get3A_302 = tpu.vector_load %arg5[%get3A_301] {strides = array<i32>} : memref<512xf32, #tpu.memory_space<vmem>>, vector<16xf32>,
    %get3A_303 = vector.shape_cast %get3A_302 : vector<16xf32> to vector<16xf32>
    %mul3A_304 = arith.constant 9.999900e+04 : f32
    %mul3A_305 = vector.broadcast %mul3A_304 : f32 to vector<16xf32>
    %mul3A_306 = arith.mulf %get3A_303, %mul3A_305 : vector<16xf32>
    %convert_element_type3A_307 = arith.fptosi %mul3A_306 : vector<16xf32> to vector<16xi32>
    %swap3A_308 = arith.constant 400 : index
    %swap3A_309 = tpu.vector_load %arg6[%swap3A_308] {strides = array<i32>} : memref<512xi32, #tpu.memory_space<vmem>>, vector<16xi32>,
    %swap3A_310 = vector.shape_cast %swap3A_309 : vector<16xi32> to vector<16xi32>
    %swap3A_311 = vector.shape_cast %convert_element_type3A_307 : vector<16xi32> to vector<16xi32>
    tpu.vector_store %arg6[%swap3A_308], %swap3A_311 {strides = array<i32>} : memref<512xi32, #tpu.memory_space<vmem>>, vector<16xi32>,
    %get3A_312 = arith.constant 416 : index
    %get3A_313 = tpu.vector_load %arg5[%get3A_312] {strides = array<i32>} : memref<512xf32, #tpu.memory_space<vmem>>, vector<16xf32>,
    %get3A_314 = vector.shape_cast %get3A_313 : vector<16xf32> to vector<16xf32>
    %mul3A_315 = arith.constant 9.999900e+04 : f32
    %mul3A_316 = vector.broadcast %mul3A_315 : f32 to vector<16xf32>
    %mul3A_317 = arith.mulf %get3A_314, %mul3A_316 : vector<16xf32>
    %convert_element_type3A_318 = arith.fptosi %mul3A_317 : vector<16xf32> to vector<16xi32>
    %swap3A_319 = arith.constant 416 : index
    %swap3A_320 = tpu.vector_load %arg6[%swap3A_319] {strides = array<i32>} : memref<512xi32, #tpu.memory_space<vmem>>, vector<16xi32>,
    %swap3A_321 = vector.shape_cast %swap3A_320 : vector<16xi32> to vector<16xi32>
    %swap3A_322 = vector.shape_cast %convert_element_type3A_318 : vector<16xi32> to vector<16xi32>
    tpu.vector_store %arg6[%swap3A_319], %swap3A_322 {strides = array<i32>} : memref<512xi32, #tpu.memory_space<vmem>>, vector<16xi32>,
    %get3A_323 = arith.constant 432 : index
    %get3A_324 = tpu.vector_load %arg5[%get3A_323] {strides = array<i32>} : memref<512xf32, #tpu.memory_space<vmem>>, vector<16xf32>,
    %get3A_325 = vector.shape_cast %get3A_324 : vector<16xf32> to vector<16xf32>
    %mul3A_326 = arith.constant 9.999900e+04 : f32
    %mul3A_327 = vector.broadcast %mul3A_326 : f32 to vector<16xf32>
    %mul3A_328 = arith.mulf %get3A_325, %mul3A_327 : vector<16xf32>
    %convert_element_type3A_329 = arith.fptosi %mul3A_328 : vector<16xf32> to vector<16xi32>
    %swap3A_330 = arith.constant 432 : index
    %swap3A_331 = tpu.vector_load %arg6[%swap3A_330] {strides = array<i32>} : memref<512xi32, #tpu.memory_space<vmem>>, vector<16xi32>,
    %swap3A_332 = vector.shape_cast %swap3A_331 : vector<16xi32> to vector<16xi32>
    %swap3A_333 = vector.shape_cast %convert_element_type3A_329 : vector<16xi32> to vector<16xi32>
    tpu.vector_store %arg6[%swap3A_330], %swap3A_333 {strides = array<i32>} : memref<512xi32, #tpu.memory_space<vmem>>, vector<16xi32>,
    %get3A_334 = arith.constant 448 : index
    %get3A_335 = tpu.vector_load %arg5[%get3A_334] {strides = array<i32>} : memref<512xf32, #tpu.memory_space<vmem>>, vector<16xf32>,
    %get3A_336 = vector.shape_cast %get3A_335 : vector<16xf32> to vector<16xf32>
    %mul3A_337 = arith.constant 9.999900e+04 : f32
    %mul3A_338 = vector.broadcast %mul3A_337 : f32 to vector<16xf32>
    %mul3A_339 = arith.mulf %get3A_336, %mul3A_338 : vector<16xf32>
    %convert_element_type3A_340 = arith.fptosi %mul3A_339 : vector<16xf32> to vector<16xi32>
    %swap3A_341 = arith.constant 448 : index
    %swap3A_342 = tpu.vector_load %arg6[%swap3A_341] {strides = array<i32>} : memref<512xi32, #tpu.memory_space<vmem>>, vector<16xi32>,
    %swap3A_343 = vector.shape_cast %swap3A_342 : vector<16xi32> to vector<16xi32>
    %swap3A_344 = vector.shape_cast %convert_element_type3A_340 : vector<16xi32> to vector<16xi32>
    tpu.vector_store %arg6[%swap3A_341], %swap3A_344 {strides = array<i32>} : memref<512xi32, #tpu.memory_space<vmem>>, vector<16xi32>,
    %get3A_345 = arith.constant 464 : index
    %get3A_346 = tpu.vector_load %arg5[%get3A_345] {strides = array<i32>} : memref<512xf32, #tpu.memory_space<vmem>>, vector<16xf32>,
    %get3A_347 = vector.shape_cast %get3A_346 : vector<16xf32> to vector<16xf32>
    %mul3A_348 = arith.constant 9.999900e+04 : f32
    %mul3A_349 = vector.broadcast %mul3A_348 : f32 to vector<16xf32>
    %mul3A_350 = arith.mulf %get3A_347, %mul3A_349 : vector<16xf32>
    %convert_element_type3A_351 = arith.fptosi %mul3A_350 : vector<16xf32> to vector<16xi32>
    %swap3A_352 = arith.constant 464 : index
    %swap3A_353 = tpu.vector_load %arg6[%swap3A_352] {strides = array<i32>} : memref<512xi32, #tpu.memory_space<vmem>>, vector<16xi32>,
    %swap3A_354 = vector.shape_cast %swap3A_353 : vector<16xi32> to vector<16xi32>
    %swap3A_355 = vector.shape_cast %convert_element_type3A_351 : vector<16xi32> to vector<16xi32>
    tpu.vector_store %arg6[%swap3A_352], %swap3A_355 {strides = array<i32>} : memref<512xi32, #tpu.memory_space<vmem>>, vector<16xi32>,
    %get3A_356 = arith.constant 480 : index
    %get3A_357 = tpu.vector_load %arg5[%get3A_356] {strides = array<i32>} : memref<512xf32, #tpu.memory_space<vmem>>, vector<16xf32>,
    %get3A_358 = vector.shape_cast %get3A_357 : vector<16xf32> to vector<16xf32>
    %mul3A_359 = arith.constant 9.999900e+04 : f32
    %mul3A_360 = vector.broadcast %mul3A_359 : f32 to vector<16xf32>
    %mul3A_361 = arith.mulf %get3A_358, %mul3A_360 : vector<16xf32>
    %convert_element_type3A_362 = arith.fptosi %mul3A_361 : vector<16xf32> to vector<16xi32>
    %swap3A_363 = arith.constant 480 : index
    %swap3A_364 = tpu.vector_load %arg6[%swap3A_363] {strides = array<i32>} : memref<512xi32, #tpu.memory_space<vmem>>, vector<16xi32>,
    %swap3A_365 = vector.shape_cast %swap3A_364 : vector<16xi32> to vector<16xi32>
    %swap3A_366 = vector.shape_cast %convert_element_type3A_362 : vector<16xi32> to vector<16xi32>
    tpu.vector_store %arg6[%swap3A_363], %swap3A_366 {strides = array<i32>} : memref<512xi32, #tpu.memory_space<vmem>>, vector<16xi32>,
    %get3A_367 = arith.constant 496 : index
    %get3A_368 = tpu.vector_load %arg5[%get3A_367] {strides = array<i32>} : memref<512xf32, #tpu.memory_space<vmem>>, vector<16xf32>,
    %get3A_369 = vector.shape_cast %get3A_368 : vector<16xf32> to vector<16xf32>
    %mul3A_370 = arith.constant 9.999900e+04 : f32
    %mul3A_371 = vector.broadcast %mul3A_370 : f32 to vector<16xf32>
    %mul3A_372 = arith.mulf %get3A_369, %mul3A_371 : vector<16xf32>
    %convert_element_type3A_373 = arith.fptosi %mul3A_372 : vector<16xf32> to vector<16xi32>
    %swap3A_374 = arith.constant 496 : index
    %swap3A_375 = tpu.vector_load %arg6[%swap3A_374] {strides = array<i32>} : memref<512xi32, #tpu.memory_space<vmem>>, vector<16xi32>,
    %swap3A_376 = vector.shape_cast %swap3A_375 : vector<16xi32> to vector<16xi32>
    %swap3A_377 = vector.shape_cast %convert_element_type3A_373 : vector<16xi32> to vector<16xi32>
    tpu.vector_store %arg6[%swap3A_374], %swap3A_377 {strides = array<i32>} : memref<512xi32, #tpu.memory_space<vmem>>, vector<16xi32>,
    %dma_start3A_378 = arith.constant 384 : i32
    %dma_start3A_379 = arith.constant 0 : i32
    %dma_start3A_380 = tpu.memref_slice %arg7[%dma_start3A_378, %dma_start3A_379] : memref<512x128xf32, #tpu.memory_space<vmem>> -> memref<128x128xf32, #tpu.memory_space<vmem>>
    %dma_start3A_381 = arith.constant 384 : i32
    %dma_start3A_382 = tpu.memref_slice %arg6[%dma_start3A_381] : memref<512xi32, #tpu.memory_space<vmem>> -> memref<128xi32, #tpu.memory_space<vmem>>
    %dma_start3A_383 = arith.constant 0 : i32
    %dma_start3A_384 = arith.constant 0 : i32
    %dma_start3A_385 = tpu.memref_slice %arg3[%dma_start3A_383, %dma_start3A_384] : memref<100000x128xf32, #tpu.memory_space<hbm>> -> memref<100000x128xf32, #tpu.memory_space<hbm>>
    tpu.enqueue_indirect_dma source(%dma_start3A_385 : memref<100000x128xf32, #tpu.memory_space<hbm>>) target(%dma_start3A_380 : memref<128x128xf32, #tpu.memory_space<vmem>>) offsets(%dma_start3A_382 : memref<128xi32, #tpu.memory_space<vmem>>) semaphore(%arg12 : memref<!tpu.dma_semaphore, #tpu.memory_space<semaphore_mem>>)
    %dma_wait3A_386 = arith.constant 0 : i32
    %dma_wait3A_387 = arith.constant 0 : i32
    %dma_wait3A_388 = tpu.memref_slice %arg7[%dma_wait3A_386, %dma_wait3A_387] : memref<512x128xf32, #tpu.memory_space<vmem>> -> memref<128x128xf32, #tpu.memory_space<vmem>>
    %dma_wait3A_389 = arith.constant 0 : i32
    %dma_wait3A_390 = tpu.memref_slice %arg6[%dma_wait3A_389] : memref<512xi32, #tpu.memory_space<vmem>> -> memref<128xi32, #tpu.memory_space<vmem>>
    %dma_wait3A_391 = arith.constant 0 : i32
    %dma_wait3A_392 = arith.constant 0 : i32
    %dma_wait3A_393 = tpu.memref_slice %arg3[%dma_wait3A_391, %dma_wait3A_392] : memref<100000x128xf32, #tpu.memory_space<hbm>> -> memref<100000x128xf32, #tpu.memory_space<hbm>>
    tpu.wait_indirect_dma semaphore(%arg9 : memref<!tpu.dma_semaphore, #tpu.memory_space<semaphore_mem>>) src(%dma_wait3A_393 : memref<100000x128xf32, #tpu.memory_space<hbm>>) dst(%dma_wait3A_388 : memref<128x128xf32, #tpu.memory_space<vmem>>)
    %add3A_394 = arith.constant 0 : i32
    %add3A_395 = arith.addi %mul3A_2, %add3A_394 : i32
    %dma_start3A_396 = arith.constant 0 : i32
    %dma_start3A_397 = arith.constant 0 : i32
    %dma_start3A_398 = tpu.memref_slice %arg7[%dma_start3A_396, %dma_start3A_397] : memref<512x128xf32, #tpu.memory_space<vmem>> -> memref<128x128xf32, #tpu.memory_space<vmem>>
    %dma_start3A_399 = arith.constant 0 : i32
    %dma_start3A_400 = tpu.memref_slice %arg4[%add3A_395, %dma_start3A_399] : memref<16384x128xf32, #tpu.memory_space<hbm>> -> memref<128x128xf32, #tpu.memory_space<hbm>>
    %dma_start3A_401 = arith.constant 0 : i32
    %dma_start3A_402 = tpu.memref_slice %arg4[%add3A_395, %dma_start3A_401] : memref<16384x128xf32, #tpu.memory_space<hbm>> -> memref<128x128xf32, #tpu.memory_space<hbm>>
    %dma_start3A_403 = arith.constant 0 : i32
    %dma_start3A_404 = arith.constant 0 : i32
    %dma_start3A_405 = tpu.memref_slice %arg7[%dma_start3A_403, %dma_start3A_404] : memref<512x128xf32, #tpu.memory_space<vmem>> -> memref<128x128xf32, #tpu.memory_space<vmem>>
    tpu.enqueue_dma source(%dma_start3A_405 : memref<128x128xf32, #tpu.memory_space<vmem>>) target(%dma_start3A_402 : memref<128x128xf32, #tpu.memory_space<hbm>>) target_semaphore(%arg13 : memref<!tpu.dma_semaphore, #tpu.memory_space<semaphore_mem>>)
    %dma_wait3A_406 = arith.constant 128 : i32
    %dma_wait3A_407 = arith.constant 0 : i32
    %dma_wait3A_408 = tpu.memref_slice %arg7[%dma_wait3A_406, %dma_wait3A_407] : memref<512x128xf32, #tpu.memory_space<vmem>> -> memref<128x128xf32, #tpu.memory_space<vmem>>
    %dma_wait3A_409 = arith.constant 128 : i32
    %dma_wait3A_410 = tpu.memref_slice %arg6[%dma_wait3A_409] : memref<512xi32, #tpu.memory_space<vmem>> -> memref<128xi32, #tpu.memory_space<vmem>>
    %dma_wait3A_411 = arith.constant 0 : i32
    %dma_wait3A_412 = arith.constant 0 : i32
    %dma_wait3A_413 = tpu.memref_slice %arg3[%dma_wait3A_411, %dma_wait3A_412] : memref<100000x128xf32, #tpu.memory_space<hbm>> -> memref<100000x128xf32, #tpu.memory_space<hbm>>
    tpu.wait_indirect_dma semaphore(%arg10 : memref<!tpu.dma_semaphore, #tpu.memory_space<semaphore_mem>>) src(%dma_wait3A_413 : memref<100000x128xf32, #tpu.memory_space<hbm>>) dst(%dma_wait3A_408 : memref<128x128xf32, #tpu.memory_space<vmem>>)
    %add3A_414 = arith.constant 128 : i32
    %add3A_415 = arith.addi %mul3A_2, %add3A_414 : i32
    %dma_start3A_416 = arith.constant 128 : i32
    %dma_start3A_417 = arith.constant 0 : i32
    %dma_start3A_418 = tpu.memref_slice %arg7[%dma_start3A_416, %dma_start3A_417] : memref<512x128xf32, #tpu.memory_space<vmem>> -> memref<128x128xf32, #tpu.memory_space<vmem>>
    %dma_start3A_419 = arith.constant 0 : i32
    %dma_start3A_420 = tpu.memref_slice %arg4[%add3A_415, %dma_start3A_419] : memref<16384x128xf32, #tpu.memory_space<hbm>> -> memref<128x128xf32, #tpu.memory_space<hbm>>
    %dma_start3A_421 = arith.constant 0 : i32
    %dma_start3A_422 = tpu.memref_slice %arg4[%add3A_415, %dma_start3A_421] : memref<16384x128xf32, #tpu.memory_space<hbm>> -> memref<128x128xf32, #tpu.memory_space<hbm>>
    %dma_start3A_423 = arith.constant 128 : i32
    %dma_start3A_424 = arith.constant 0 : i32
    %dma_start3A_425 = tpu.memref_slice %arg7[%dma_start3A_423, %dma_start3A_424] : memref<512x128xf32, #tpu.memory_space<vmem>> -> memref<128x128xf32, #tpu.memory_space<vmem>>
    tpu.enqueue_dma source(%dma_start3A_425 : memref<128x128xf32, #tpu.memory_space<vmem>>) target(%dma_start3A_422 : memref<128x128xf32, #tpu.memory_space<hbm>>) target_semaphore(%arg13 : memref<!tpu.dma_semaphore, #tpu.memory_space<semaphore_mem>>)
    %dma_wait3A_426 = arith.constant 256 : i32
    %dma_wait3A_427 = arith.constant 0 : i32
    %dma_wait3A_428 = tpu.memref_slice %arg7[%dma_wait3A_426, %dma_wait3A_427] : memref<512x128xf32, #tpu.memory_space<vmem>> -> memref<128x128xf32, #tpu.memory_space<vmem>>
    %dma_wait3A_429 = arith.constant 256 : i32
    %dma_wait3A_430 = tpu.memref_slice %arg6[%dma_wait3A_429] : memref<512xi32, #tpu.memory_space<vmem>> -> memref<128xi32, #tpu.memory_space<vmem>>
    %dma_wait3A_431 = arith.constant 0 : i32
    %dma_wait3A_432 = arith.constant 0 : i32
    %dma_wait3A_433 = tpu.memref_slice %arg3[%dma_wait3A_431, %dma_wait3A_432] : memref<100000x128xf32, #tpu.memory_space<hbm>> -> memref<100000x128xf32, #tpu.memory_space<hbm>>
    tpu.wait_indirect_dma semaphore(%arg11 : memref<!tpu.dma_semaphore, #tpu.memory_space<semaphore_mem>>) src(%dma_wait3A_433 : memref<100000x128xf32, #tpu.memory_space<hbm>>) dst(%dma_wait3A_428 : memref<128x128xf32, #tpu.memory_space<vmem>>)
    %add3A_434 = arith.constant 256 : i32
    %add3A_435 = arith.addi %mul3A_2, %add3A_434 : i32
    %dma_start3A_436 = arith.constant 256 : i32
    %dma_start3A_437 = arith.constant 0 : i32
    %dma_start3A_438 = tpu.memref_slice %arg7[%dma_start3A_436, %dma_start3A_437] : memref<512x128xf32, #tpu.memory_space<vmem>> -> memref<128x128xf32, #tpu.memory_space<vmem>>
    %dma_start3A_439 = arith.constant 0 : i32
    %dma_start3A_440 = tpu.memref_slice %arg4[%add3A_435, %dma_start3A_439] : memref<16384x128xf32, #tpu.memory_space<hbm>> -> memref<128x128xf32, #tpu.memory_space<hbm>>
    %dma_start3A_441 = arith.constant 0 : i32
    %dma_start3A_442 = tpu.memref_slice %arg4[%add3A_435, %dma_start3A_441] : memref<16384x128xf32, #tpu.memory_space<hbm>> -> memref<128x128xf32, #tpu.memory_space<hbm>>
    %dma_start3A_443 = arith.constant 256 : i32
    %dma_start3A_444 = arith.constant 0 : i32
    %dma_start3A_445 = tpu.memref_slice %arg7[%dma_start3A_443, %dma_start3A_444] : memref<512x128xf32, #tpu.memory_space<vmem>> -> memref<128x128xf32, #tpu.memory_space<vmem>>
    tpu.enqueue_dma source(%dma_start3A_445 : memref<128x128xf32, #tpu.memory_space<vmem>>) target(%dma_start3A_442 : memref<128x128xf32, #tpu.memory_space<hbm>>) target_semaphore(%arg13 : memref<!tpu.dma_semaphore, #tpu.memory_space<semaphore_mem>>)
    %dma_wait3A_446 = arith.constant 384 : i32
    %dma_wait3A_447 = arith.constant 0 : i32
    %dma_wait3A_448 = tpu.memref_slice %arg7[%dma_wait3A_446, %dma_wait3A_447] : memref<512x128xf32, #tpu.memory_space<vmem>> -> memref<128x128xf32, #tpu.memory_space<vmem>>
    %dma_wait3A_449 = arith.constant 384 : i32
    %dma_wait3A_450 = tpu.memref_slice %arg6[%dma_wait3A_449] : memref<512xi32, #tpu.memory_space<vmem>> -> memref<128xi32, #tpu.memory_space<vmem>>
    %dma_wait3A_451 = arith.constant 0 : i32
    %dma_wait3A_452 = arith.constant 0 : i32
    %dma_wait3A_453 = tpu.memref_slice %arg3[%dma_wait3A_451, %dma_wait3A_452] : memref<100000x128xf32, #tpu.memory_space<hbm>> -> memref<100000x128xf32, #tpu.memory_space<hbm>>
    tpu.wait_indirect_dma semaphore(%arg12 : memref<!tpu.dma_semaphore, #tpu.memory_space<semaphore_mem>>) src(%dma_wait3A_453 : memref<100000x128xf32, #tpu.memory_space<hbm>>) dst(%dma_wait3A_448 : memref<128x128xf32, #tpu.memory_space<vmem>>)
    %add3A_454 = arith.constant 384 : i32
    %add3A_455 = arith.addi %mul3A_2, %add3A_454 : i32
    %dma_start3A_456 = arith.constant 384 : i32
    %dma_start3A_457 = arith.constant 0 : i32
    %dma_start3A_458 = tpu.memref_slice %arg7[%dma_start3A_456, %dma_start3A_457] : memref<512x128xf32, #tpu.memory_space<vmem>> -> memref<128x128xf32, #tpu.memory_space<vmem>>
    %dma_start3A_459 = arith.constant 0 : i32
    %dma_start3A_460 = tpu.memref_slice %arg4[%add3A_455, %dma_start3A_459] : memref<16384x128xf32, #tpu.memory_space<hbm>> -> memref<128x128xf32, #tpu.memory_space<hbm>>
    %dma_start3A_461 = arith.constant 0 : i32
    %dma_start3A_462 = tpu.memref_slice %arg4[%add3A_455, %dma_start3A_461] : memref<16384x128xf32, #tpu.memory_space<hbm>> -> memref<128x128xf32, #tpu.memory_space<hbm>>
    %dma_start3A_463 = arith.constant 384 : i32
    %dma_start3A_464 = arith.constant 0 : i32
    %dma_start3A_465 = tpu.memref_slice %arg7[%dma_start3A_463, %dma_start3A_464] : memref<512x128xf32, #tpu.memory_space<vmem>> -> memref<128x128xf32, #tpu.memory_space<vmem>>
    tpu.enqueue_dma source(%dma_start3A_465 : memref<128x128xf32, #tpu.memory_space<vmem>>) target(%dma_start3A_462 : memref<128x128xf32, #tpu.memory_space<hbm>>) target_semaphore(%arg13 : memref<!tpu.dma_semaphore, #tpu.memory_space<semaphore_mem>>)
    %dma_wait3A_466 = arith.constant 0 : i32
    %dma_wait3A_467 = arith.constant 0 : i32
    %dma_wait3A_468 = tpu.memref_slice %arg7[%dma_wait3A_466, %dma_wait3A_467] : memref<512x128xf32, #tpu.memory_space<vmem>> -> memref<128x128xf32, #tpu.memory_space<vmem>>
    %dma_wait3A_469 = arith.constant 0 : i32
    %dma_wait3A_470 = tpu.memref_slice %arg4[%add3A_395, %dma_wait3A_469] : memref<16384x128xf32, #tpu.memory_space<hbm>> -> memref<128x128xf32, #tpu.memory_space<hbm>>
    %dma_wait3A_471 = arith.constant 0 : i32
    %dma_wait3A_472 = tpu.memref_slice %arg4[%add3A_395, %dma_wait3A_471] : memref<16384x128xf32, #tpu.memory_space<hbm>> -> memref<128x128xf32, #tpu.memory_space<hbm>>
    %dma_wait3A_473 = arith.constant 0 : i32
    %dma_wait3A_474 = arith.constant 0 : i32
    %dma_wait3A_475 = tpu.memref_slice %arg7[%dma_wait3A_473, %dma_wait3A_474] : memref<512x128xf32, #tpu.memory_space<vmem>> -> memref<128x128xf32, #tpu.memory_space<vmem>>
    tpu.wait_dma2 semaphore(%arg13 : memref<!tpu.dma_semaphore, #tpu.memory_space<semaphore_mem>>) src(%dma_wait3A_475 : memref<128x128xf32, #tpu.memory_space<vmem>>) dst(%dma_wait3A_472 : memref<128x128xf32, #tpu.memory_space<hbm>>)
    %dma_wait3A_476 = arith.constant 128 : i32
    %dma_wait3A_477 = arith.constant 0 : i32
    %dma_wait3A_478 = tpu.memref_slice %arg7[%dma_wait3A_476, %dma_wait3A_477] : memref<512x128xf32, #tpu.memory_space<vmem>> -> memref<128x128xf32, #tpu.memory_space<vmem>>
    %dma_wait3A_479 = arith.constant 0 : i32
    %dma_wait3A_480 = tpu.memref_slice %arg4[%add3A_415, %dma_wait3A_479] : memref<16384x128xf32, #tpu.memory_space<hbm>> -> memref<128x128xf32, #tpu.memory_space<hbm>>
    %dma_wait3A_481 = arith.constant 0 : i32
    %dma_wait3A_482 = tpu.memref_slice %arg4[%add3A_415, %dma_wait3A_481] : memref<16384x128xf32, #tpu.memory_space<hbm>> -> memref<128x128xf32, #tpu.memory_space<hbm>>
    %dma_wait3A_483 = arith.constant 128 : i32
    %dma_wait3A_484 = arith.constant 0 : i32
    %dma_wait3A_485 = tpu.memref_slice %arg7[%dma_wait3A_483, %dma_wait3A_484] : memref<512x128xf32, #tpu.memory_space<vmem>> -> memref<128x128xf32, #tpu.memory_space<vmem>>
    tpu.wait_dma2 semaphore(%arg13 : memref<!tpu.dma_semaphore, #tpu.memory_space<semaphore_mem>>) src(%dma_wait3A_485 : memref<128x128xf32, #tpu.memory_space<vmem>>) dst(%dma_wait3A_482 : memref<128x128xf32, #tpu.memory_space<hbm>>)
    %dma_wait3A_486 = arith.constant 256 : i32
    %dma_wait3A_487 = arith.constant 0 : i32
    %dma_wait3A_488 = tpu.memref_slice %arg7[%dma_wait3A_486, %dma_wait3A_487] : memref<512x128xf32, #tpu.memory_space<vmem>> -> memref<128x128xf32, #tpu.memory_space<vmem>>
    %dma_wait3A_489 = arith.constant 0 : i32
    %dma_wait3A_490 = tpu.memref_slice %arg4[%add3A_435, %dma_wait3A_489] : memref<16384x128xf32, #tpu.memory_space<hbm>> -> memref<128x128xf32, #tpu.memory_space<hbm>>
    %dma_wait3A_491 = arith.constant 0 : i32
    %dma_wait3A_492 = tpu.memref_slice %arg4[%add3A_435, %dma_wait3A_491] : memref<16384x128xf32, #tpu.memory_space<hbm>> -> memref<128x128xf32, #tpu.memory_space<hbm>>
    %dma_wait3A_493 = arith.constant 256 : i32
    %dma_wait3A_494 = arith.constant 0 : i32
    %dma_wait3A_495 = tpu.memref_slice %arg7[%dma_wait3A_493, %dma_wait3A_494] : memref<512x128xf32, #tpu.memory_space<vmem>> -> memref<128x128xf32, #tpu.memory_space<vmem>>
    tpu.wait_dma2 semaphore(%arg13 : memref<!tpu.dma_semaphore, #tpu.memory_space<semaphore_mem>>) src(%dma_wait3A_495 : memref<128x128xf32, #tpu.memory_space<vmem>>) dst(%dma_wait3A_492 : memref<128x128xf32, #tpu.memory_space<hbm>>)
    %dma_wait3A_496 = arith.constant 384 : i32
    %dma_wait3A_497 = arith.constant 0 : i32
    %dma_wait3A_498 = tpu.memref_slice %arg7[%dma_wait3A_496, %dma_wait3A_497] : memref<512x128xf32, #tpu.memory_space<vmem>> -> memref<128x128xf32, #tpu.memory_space<vmem>>
    %dma_wait3A_499 = arith.constant 0 : i32
    %dma_wait3A_500 = tpu.memref_slice %arg4[%add3A_455, %dma_wait3A_499] : memref<16384x128xf32, #tpu.memory_space<hbm>> -> memref<128x128xf32, #tpu.memory_space<hbm>>
    %dma_wait3A_501 = arith.constant 0 : i32
    %dma_wait3A_502 = tpu.memref_slice %arg4[%add3A_455, %dma_wait3A_501] : memref<16384x128xf32, #tpu.memory_space<hbm>> -> memref<128x128xf32, #tpu.memory_space<hbm>>
    %dma_wait3A_503 = arith.constant 384 : i32
    %dma_wait3A_504 = arith.constant 0 : i32
    %dma_wait3A_505 = tpu.memref_slice %arg7[%dma_wait3A_503, %dma_wait3A_504] : memref<512x128xf32, #tpu.memory_space<vmem>> -> memref<128x128xf32, #tpu.memory_space<vmem>>
    tpu.wait_dma2 semaphore(%arg13 : memref<!tpu.dma_semaphore, #tpu.memory_space<semaphore_mem>>) src(%dma_wait3A_505 : memref<128x128xf32, #tpu.memory_space<vmem>>) dst(%dma_wait3A_502 : memref<128x128xf32, #tpu.memory_space<hbm>>)
    return
  }
}

</mosaic_0001>

<sc_bundles>
// kernel: kernel.3.cloned.1.call-start
scs
__scs_entry_jumppad:
0x0: {  	(pc) =	sbr.rel $0x88, $3  }
0x1: {  	(tag) =	ssettag $0x0;
	lr =	simm.s32 $0x1  }
0x2: {  	[smem:$0x3F9F] =	sst lr;
	_ =	strace $0xD0000000  }
0x3: {  	_ = 	snop  }
0x4: {  	_ = 	snop  }
0x5: {  	_ = 	snop  }
0x6: {  	_ = 	snop  }
0x7: {  	_ = 	snop  }
__scs_overlays_trampoline_lowered:
0x8: {  	[smem:$0x3FAE] =	sst s0  }
0x9: {  	[smem:$0x3FAF] =	sst s1  }
0xa: {  	[smem:$0x3FB0] =	sst s2  }
0xb: {  	[smem:$0x3FB1] =	sst s3  }
0xc: {  	[smem:$0x3FB2] =	sst s4  }
0xd: {  	[smem:$0x3FB3] =	sst s5  }
0xe: {  	[smem:$0x3FB4] =	sst s6  }
0xf: {  	[smem:$0x3FB5] =	sst s7  }
0x10: {  	[smem:$0x3FB6] =	sst s8  }
0x11: {  	[smem:$0x3FB7] =	sst s9;
	s0 =	simm.s32 @!p0 $0x0  }
0x12: {  	s1 =	sld [smem:$0x3F9D];
	s0 =	simm.s32 @p0 $0x1  }
0x13: {  	[smem:$0x3FB8] =	sst s0;
	s0 =	simm.s32 @!p1 $0x0  }
0x14: {  	s2 =	sld [smem:$0x3F9C];
	s0 =	simm.s32 @p1 $0x1  }
0x15: {  	[smem:$0x3FB9] =	sst s0;
	s0 =	simm.s32 @!p2 $0x0  }
0x16: {  	s3 =	sld [smem:$0x3FDB];
	s0 =	simm.s32 @p2 $0x1  }
0x17: {  	s4 =	simm.s32 $0x1BF5;
	[smem:$0x3FBB] =	sst s0  }
0x18: {  	s0 =	sld [smem:$0x3F9E];
	_ =	swait.ge [sflag:s4], $0x0  }
0x19: {  	s7 =	sld [smem:$0x3F9F]  }
0x1a: {  	s8 =	sadd.s32 $0xFFFFE003, lr  }
0x1b: {  	s9 =	sadd.s32 $0xFFFFFEF7, lr;
	s5 =	simm.s32 $0xFFFFFFFF;
	p2 =	slt.u32 s8, $0xFFFFF086  }
0x1c: {  	p1 =	slt.u32 s9, $0xF7A;
	s5 =	simm.s32 @!p2 $0x0  }
0x1d: {  	s5 =	simm.s32 @p1 $0x1;
	p0 =	seq.s32 s7, s2  }
0x1e: {  	s7 =	smul.u32 @!p0 $0xF7A, s2;
	p2 =	seq.s32 @!p0 s5, $0x0  }
0x1f: {  	s9 =	smul.u32 $0xF7A, s1;
	s8 =	simm.s32 @!p0 $0x1BF5;
	p2 =	por !p2, p0  }
0x20: {  	[sflag:s8] =	ssyncset.s32 @!p0 $0xFFFFF086;
	s6 =	sadd.s32 @!p0 s3, s7;
	s7 =	simm.s32 @!p0 $0x108  }
0x21: {  	s3 =	sadd.s32 s3, s9;
	s6 =	sadd.s32 @!p0 $0x88, s6;
	s7 =	simm.s32 @p2 $0x1082  }
0x22: {  	[simem:s7], [sflag:s8] =	dma.local @!p0 [hbm:s6], $0xF7A  }
0x23: {  	s9 =	sor.u32 $0xD0000000, s2;
	s6 =	simm.s32 $0x108;
	_ =	swait.ge @!p0 [sflag:s8], $0x0  }
0x24: {  	s3 =	sadd.s32 $0x88, s3;
	s6 =	simm.s32 @!p1 $0x1082;
	[sflag:s4] =	ssyncset.s32 $0xFFFFF086  }
0x25: {  	[simem:s6], [sflag:s4] =	dma.local [hbm:s3], $0xF7A  }
0x26: {  	[smem:$0x3F9F] =	sst s1;
	(tag) =	ssettag s2;
	_ =	strace s9  }
0x27: {  	s1 =	sld [smem:$0x3FAF]  }
0x28: {  	s2 =	sld [smem:$0x3FB0]  }
0x29: {  	s4 =	sld [smem:$0x3FB2]  }
0x2a: {  	p0 =	seq.s32 s5, $0x0;
	s5 =	sld [smem:$0x3FB3]  }
0x2b: {  	s6 =	sld [smem:$0x3FB4]  }
0x2c: {  	s7 =	sld [smem:$0x3FB5]  }
0x2d: {  	s3 =	simm.s32 $0x108;
	s8 =	sld [smem:$0x3FB6]  }
0x2e: {  	s3 =	simm.s32 @!p0 $0x1082;
	s9 =	sld [smem:$0x3FB7]  }
0x2f: {  	lr =	sadd.s32 s0, s3;
	s0 =	sld [smem:$0x3FAE]  }
0x30: {  	s3 =	sld [smem:$0x3FB1]  }
0x31: {  	[smem:$0x3FBA] =	sst s10  }
0x32: {  	s10 =	sld [smem:$0x3FB8];
	_ =	sdelay $0x3  }
0x33: {  	p0 =	seq.s32 s10, $0x1;
	s10 =	sld [smem:$0x3FBA];
	_ =	sdelay $0x3  }
0x34: {  	[smem:$0x3FBA] =	sst s10  }
0x35: {  	s10 =	sld [smem:$0x3FB9];
	_ =	sdelay $0x3  }
0x36: {  	p1 =	seq.s32 s10, $0x1;
	s10 =	sld [smem:$0x3FBA];
	_ =	sdelay $0x3  }
0x37: {  	[smem:$0x3FBA] =	sst s10  }
0x38: {  	s10 =	sld [smem:$0x3FBB]  }
0x39: {  	_ = 	snop;
	(pc) =	sbr.ind lr, $3  }
0x3a: {  	_ = 	snop  }
0x3b: {  	_ = 	snop  }
0x3c: {  	p2 =	seq.s32 s10, $0x1;
	s10 =	sld [smem:$0x3FBA]  }
0x3d: {  	_ =	shalt  }
0x3e: {  	_ =	shalt  }
0x3f: {  	_ =	shalt  }
0x40: {  	_ =	shalt  }
0x41: {  	_ =	shalt  }
0x42: {  	_ =	shalt  }
0x43: {  	_ =	shalt  }
0x44: {  	_ =	shalt  }
0x45: {  	_ =	shalt  }
0x46: {  	_ =	shalt  }
0x47: {  	_ =	shalt  }
0x48: {  	_ =	shalt  }
0x49: {  	_ =	shalt  }
0x4a: {  	_ =	shalt  }
0x4b: {  	_ =	shalt  }
0x4c: {  	_ =	shalt  }
0x4d: {  	_ =	shalt  }
0x4e: {  	_ =	shalt  }
0x4f: {  	_ =	shalt  }
0x50: {  	_ =	shalt  }
0x51: {  	_ =	shalt  }
0x52: {  	_ =	shalt  }
0x53: {  	_ =	shalt  }
0x54: {  	_ =	shalt  }
0x55: {  	_ =	shalt  }
0x56: {  	_ =	shalt  }
0x57: {  	_ =	shalt  }
0x58: {  	_ =	shalt  }
0x59: {  	_ =	shalt  }
0x5a: {  	_ =	shalt  }
0x5b: {  	_ =	shalt  }
0x5c: {  	_ =	shalt  }
0x5d: {  	_ =	shalt  }
0x5e: {  	_ =	shalt  }
0x5f: {  	_ =	shalt  }
0x60: {  	_ =	shalt  }
0x61: {  	_ =	shalt  }
0x62: {  	_ =	shalt  }
0x63: {  	_ =	shalt  }
0x64: {  	_ =	shalt  }
0x65: {  	_ =	shalt  }
0x66: {  	_ =	shalt  }
0x67: {  	_ =	shalt  }
0x68: {  	_ =	shalt  }
0x69: {  	_ =	shalt  }
0x6a: {  	_ =	shalt  }
0x6b: {  	_ =	shalt  }
0x6c: {  	_ =	shalt  }
0x6d: {  	_ =	shalt  }
0x6e: {  	_ =	shalt  }
0x6f: {  	_ =	shalt  }
0x70: {  	_ =	shalt  }
0x71: {  	_ =	shalt  }
0x72: {  	_ =	shalt  }
0x73: {  	_ =	shalt  }
0x74: {  	_ =	shalt  }
0x75: {  	_ =	shalt  }
0x76: {  	_ =	shalt  }
0x77: {  	_ =	shalt  }
0x78: {  	_ =	shalt  }
0x79: {  	_ =	shalt  }
0x7a: {  	_ =	shalt  }
0x7b: {  	_ =	shalt  }
0x7c: {  	_ =	shalt  }
0x7d: {  	_ =	shalt  }
0x7e: {  	_ =	shalt  }
0x7f: {  	_ =	shalt  }
0x80: {  	_ =	shalt  }
0x81: {  	_ =	shalt  }
0x82: {  	_ =	shalt  }
0x83: {  	_ =	shalt  }
0x84: {  	_ =	shalt  }
0x85: {  	_ =	shalt  }
0x86: {  	_ =	shalt  }
0x87: {  	_ =	shalt  }
.Lfunc_end0:
.L_simem_size_0:
called_computation_lowered:
.L_overlay_start_0:
0x88: {  	s2 =	sld [smem:$0x3FD9]  }
0x89: {  	s3 =	sld [smem:$0x3FFE];
	_ =	sdelay $0x1  }
0x8a: {  	s1 =	srdreg.scid  }
0x8b: {  	s0 =	sand.u32 $0x1, s1  }
0x8c: {  	s18 =	sshll.u32 s0, $0xA;
	s2 =	sadd.s32 s3, s2  }
0x8d: {  	s2 =	sadd.s32 s2, s18  }
0x8e: {  	[smem:$0x3FC6] =	sst s2  }
0x8f: {  	_ = 	snop  }
0x90: {  	s2 =	sld [smem:$0x3FC9]  }
0x91: {  	s19 =	sld [smem:$0x3FC8]  }
0x92: {  	s4 =	sld [smem:$0x3FD0];
	(tm) =	ssettm $0x1  }
0x93: {  	s5 =	sld [smem:$0x3FFB];
	_ =	sdelay $0x3  }
0x94: {  	_ =	strace s5  }
0x95: {  	s5 =	sld [smem:$0x3FFC];
	_ =	sdelay $0x3  }
0x96: {  	_ =	strace s5  }
0x97: {  	s5 =	sld [smem:$0x3FFD];
	_ =	sdelay $0x3  }
0x98: {  	_ =	strace s5  }
0x99: {  	_ =	strace $0x8FFFFFFF  }
0x9a: {  	s20 =	sld [smem:$0x3FDB];
	_ =	sdelay $0x1  }
0x9b: {  	s6 =	simm.s32 $_scs_section_size  }
0x9c: {  	s7 =	simm.s32 $_size__tile_overlayer_lowered;
	s8 =	simm.s32 $_tile_overlayer_lowered  }
0x9d: {  	s23 =	simm.s32 $0x1BFF;
	s22 =	sshll.u32 s8, $0x1;
	s5 =	sadd.s32 s6, s20  }
0x9e: {  	s9 =	simm.s32 $0x0;
	s21 =	sshll.u32 s7, $0x1;
	s7 =	sadd.s32 s22, s5  }
0x9f: {  	[timem:s9], [sflag:s23] =	dma.local [hbm:s7], s21  }
0xa0: {  	_ =	swait.ge [sflag:s23], s21  }
0xa1: {  	s6 =	ssub.s32 $0x0, s21;
	[sflag:s23] =	ssyncset.done $0x0  }
0xa2: {  	[sflag:s23] =	ssyncadd.s32 s6;
	_ =	sdelay $0x1  }
0xa3: {  	s24 =	simm.s32 $0x1B8B  }
0xa4: {  	_ =	swait.ge [sflag:s24], $0x1  }
0xa5: {  	[sflag:s24] =	ssyncset.done $0x0  }
0xa6: {  	s25 =	simm.s32 $0x1B8E;
	[sflag:s24] =	ssyncadd.s32 $0xFFFFFFFF  }
0xa7: {  	s26 =	simm.s32 $execute0_lowered;
	[smem:$0x3FD2] =	sst s25  }
0xa8: {  	s6 =	sshll.u32 s26, $0x1;
	_ =	strace $0x80000046;
	[dreg:$0x1] =	wrdreg $0xFFFFFFFF  }
0xa9: {  	s28 =	simm.s32 $_size_execute0_lowered;
	s5 =	sadd.s32 s5, s6;
	[dreg:$0x0] =	wrdreg $0x0  }
0xaa: {  	s6 =	sshll.u32 s28, $0x1;
	[dreg:$0x2] =	wrdreg s5  }
0xab: {  	[dreg:$0x3] =	wrdreg s6  }
0xac: {  	[dreg:$0x4] =	wrdreg $0xC0  }
0xad: {  	_ =	task [dreg:s9], $0x5FFFF  }
0xae: {  	[dreg:$0x1] =	wrdreg $0xFFFFFFFF  }
0xaf: {  	[dreg:$0x0] =	wrdreg $0x60  }
0xb0: {  	[dreg:$0x2] =	wrdreg s2  }
0xb1: {  	[dreg:$0x3] =	wrdreg s19  }
0xb2: {  	[dreg:$0x4] =	wrdreg s4  }
0xb3: {  	[dreg:$0x5] =	wrdreg $0x9  }
0xb4: {  	_ =	task.clear_ibuf [dreg:s9], $0x6FFFF;
	_ =	strace $0x90000046  }
0xb5: {  	s29 =	simm.s32 $0x9;
	_ =	strace $0x80000048  }
0xb6: {  	_ =	swait.ge [sflag:s29], $0x1  }
0xb7: {  	[sflag:s29] =	ssyncadd.s32 $0xFFFFFFFF  }
0xb8: {  	_ =	strace $0x90000048  }
0xb9: {  	_ =	sfence  }
0xba: {  	s30 =	sld [smem:$0x0];
	_ =	sdelay $0x2  }
0xbb: {  	s31 =	sshll.u32 s1, $0xD;
	s1 =	sshrl.u32 s1, $0x2  }
0xbc: {  	s3 =	sand.u32 $0x4000, s31;
	s1 =	sadd.s32 s1, s30  }
0xbd: {  	s0 =	sor.u32 s3, s0;
	s1 =	sshll.u32 s1, $0x11  }
0xbe: {  	s0 =	sor.u32 s1, s0  }
0xbf: {  	s0 =	sadd.s32 $0x8F2B, s0  }
0xc0: {  	[sflag:s0] =	ssyncadd.remote.s32 $0x1  }
0xc1: {  	_ =	sfence.sel $0xFFFF  }
0xc2: {  	[dreg:$0x0] =	wrdreg $0xFFFFFFFF;
	(pc) =	sbr.abs _section_cstart, $3  }
0xc3: {  	[dreg:$0x1] =	wrdreg $0xFFFFFFFF  }
0xc4: {  	_ =	task.clear_ibuf [dreg:s9], $0x2FFFF;
	_ =	strace $0x9FFFFFFF  }
0xc5: {  	(tm) =	ssettm $0x7FFFFFFF  }
tec
execute0_lowered:
.L_overlay_start_1:
0x0: {  	(tag) =	ssettag $0x1  }
0x1: {  	s4 =	rddreg [dreg:$0x0];
	s1 =	srdreg.scid  }
0x2: {  	s3 =	rddreg [dreg:$0x1];
	s0 =	stileid.u32;
	s12 =	sand.u32 $0x1, s1  }
0x3: {  	s11 =	rddreg [dreg:$0x2];
	s5 =	sshll.u32 s0, $0xA;
	s6 =	sshll.u32 s12, $0x9  }
0x4: {  	s2 =	simm.s32 $0x0;
	s1 =	rddreg [dreg:$0x3];
	s13 =	sor.u32 s6, s5  }
0x5: {  	[smem:$0x7FF] =	sst s2;
	s5 =	sshrl.u32 s13, $0x3  }
0x6: {  	_ =	strace $0x80000047;
	s4 =	sadd.s32 s4, s5;
	s5 =	simm.s32 $0x1  }
0x7: {  	[tilespmem:s2], [sflag:$0x1] =	stream.linear.gather [hbm4b:s4+s2], $0x200, $0x38;
	[tilespmem:$0x10400] =	vst v63  }
0x8: {  	_ =	swait.ge [sflag:s5], $0x200  }
0x9: {  	[sflag:s5] =	ssyncset.done $0x0  }
0xa: {  	[sflag:s5] =	ssyncadd.s32 $0xFFFFFE00  }
0xb: {  	v0 =	vld [tilespmem:$0x0]  }
0xc: {  	v1 =	vld [tilespmem:$0x10]  }
0xd: {  	v2 =	vld [tilespmem:$0x30]  }
0xe: {  	v3 =	vld [tilespmem:$0x40]  }
0xf: {  	v4 =	vld [tilespmem:$0x50]  }
0x10: {  	v5 =	vld [tilespmem:$0x70];
	_ =	sdelay $0x1  }
0x11: {  	v0 =	vmul.f32 $9.999900000e+04, v0  }
0x12: {  	v2 =	vmul.f32 $9.999900000e+04, v2;
	v1 =	vmul.f32 $9.999900000e+04, v1  }
0x13: {  	v6 =	vld [tilespmem:$0x20];
	v3 =	vmul.f32 $9.999900000e+04, v3;
	v4 =	vmul.f32 $9.999900000e+04, v4  }
0x14: {  	v7 =	vld [tilespmem:$0x60];
	v5 =	vmul.f32 $9.999900000e+04, v5;
	v0 =	vtrunc.f32 v0  }
0x15: {  	v2 =	vtrunc.f32 v2;
	v3 =	vtrunc.f32 v3  }
0x16: {  	v1 =	vtrunc.f32 v1;
	v0 =	vcvt.f32.s32 v0  }
0x17: {  	v2 =	vcvt.f32.s32 v2;
	v3 =	vcvt.f32.s32 v3  }
0x18: {  	[tilespmem:$0x200] =	vst v0;
	v0 =	vcvt.f32.s32 v1;
	v1 =	vmul.f32 $9.999900000e+04, v6  }
0x19: {  	v5 =	vtrunc.f32 v5;
	[tilespmem:$0x230] =	vst v2;
	v2 =	vmul.f32 $9.999900000e+04, v7  }
0x1a: {  	[tilespmem:$0x240] =	vst v3;
	v3 =	vcvt.f32.s32 v5;
	v1 =	vtrunc.f32 v1  }
0x1b: {  	[tilespmem:$0x210] =	vst v0;
	v0 =	vcvt.f32.s32 v1;
	v1 =	vtrunc.f32 v2  }
0x1c: {  	[tilespmem:$0x270] =	vst v3;
	v2 =	vtrunc.f32 v4;
	v1 =	vcvt.f32.s32 v1  }
0x1d: {  	v2 =	vcvt.f32.s32 v2;
	[tilespmem:$0x220] =	vst v0  }
0x1e: {  	[tilespmem:$0x260] =	vst v1  }
0x1f: {  	s7 =	simm.s32 $0x80;
	s9 =	simm.s32 $0x200;
	s6 =	simm.s32 $0x400;
	[tilespmem:$0x250] =	vst v2  }
0x20: {  	[tilespmem:s6], [sflag:$0x2] =	stream.indirect.gather [hbm4b:s3+s7], $0x80, s9, s7, $0xb8;
	[tilespmem:$0x10400] =	vst v63  }
0x21: {  	v0 =	vld [tilespmem:$0x80]  }
0x22: {  	v1 =	vld [tilespmem:$0x90]  }
0x23: {  	v2 =	vld [tilespmem:$0xB0]  }
0x24: {  	v3 =	vld [tilespmem:$0xA0]  }
0x25: {  	v4 =	vld [tilespmem:$0xC0];
	_ =	sdelay $0x2  }
0x26: {  	v0 =	vmul.f32 $9.999900000e+04, v0  }
0x27: {  	v1 =	vmul.f32 $9.999900000e+04, v1;
	v2 =	vmul.f32 $9.999900000e+04, v2  }
0x28: {  	v5 =	vld [tilespmem:$0xF0];
	v3 =	vmul.f32 $9.999900000e+04, v3;
	v4 =	vmul.f32 $9.999900000e+04, v4  }
0x29: {  	v60 =	vld [tilespmem:$0xD0];
	v0 =	vtrunc.f32 v0;
	v1 =	vtrunc.f32 v1  }
0x2a: {  	v61 =	vld [tilespmem:$0xE0];
	v2 =	vtrunc.f32 v2;
	v3 =	vtrunc.f32 v3  }
0x2b: {  	v4 =	vtrunc.f32 v4;
	v1 =	vcvt.f32.s32 v1  }
0x2c: {  	v2 =	vcvt.f32.s32 v2;
	v0 =	vcvt.f32.s32 v0  }
0x2d: {  	[tilespmem:$0x290] =	vst v1;
	v1 =	vcvt.f32.s32 v4;
	v4 =	vmul.f32 $9.999900000e+04, v5  }
0x2e: {  	v3 =	vcvt.f32.s32 v3;
	[tilespmem:$0x2B0] =	vst v2;
	v2 =	vmul.f32 $9.999900000e+04, v60  }
0x2f: {  	[tilespmem:$0x2C0] =	vst v1;
	v1 =	vmul.f32 $9.999900000e+04, v61;
	v4 =	vtrunc.f32 v4  }
0x30: {  	[tilespmem:$0x280] =	vst v0;
	v0 =	vtrunc.f32 v2;
	v2 =	vcvt.f32.s32 v4  }
0x31: {  	[tilespmem:$0x2A0] =	vst v3;
	v0 =	vcvt.f32.s32 v0;
	v1 =	vtrunc.f32 v1  }
0x32: {  	v1 =	vcvt.f32.s32 v1;
	[tilespmem:$0x2F0] =	vst v2  }
0x33: {  	[tilespmem:$0x2D0] =	vst v0  }
0x34: {  	s10 =	simm.s32 $0x280;
	s8 =	simm.s32 $0x4400;
	[tilespmem:$0x2E0] =	vst v1  }
0x35: {  	[tilespmem:s8], [sflag:$0x3] =	stream.indirect.gather [hbm4b:s3+s7], $0x80, s10, s7, $0xb8;
	[tilespmem:$0x10400] =	vst v63  }
0x36: {  	v0 =	vld [tilespmem:$0x100]  }
0x37: {  	v1 =	vld [tilespmem:$0x140]  }
0x38: {  	v2 =	vld [tilespmem:$0x170]  }
0x39: {  	v3 =	vld [tilespmem:$0x120]  }
0x3a: {  	v4 =	vld [tilespmem:$0x150]  }
0x3b: {  	v5 =	vld [tilespmem:$0x110]  }
0x3c: {  	v62 =	vld [tilespmem:$0x130];
	_ =	sdelay $0x1  }
0x3d: {  	v0 =	vmul.f32 $9.999900000e+04, v0  }
0x3e: {  	v2 =	vmul.f32 $9.999900000e+04, v2;
	v3 =	vmul.f32 $9.999900000e+04, v3  }
0x3f: {  	v1 =	vmul.f32 $9.999900000e+04, v1;
	v4 =	vmul.f32 $9.999900000e+04, v4  }
0x40: {  	v63 =	vld [tilespmem:$0x160];
	v5 =	vmul.f32 $9.999900000e+04, v5;
	v6 =	vmul.f32 $9.999900000e+04, v62  }
0x41: {  	v0 =	vtrunc.f32 v0;
	v1 =	vtrunc.f32 v1  }
0x42: {  	v4 =	vtrunc.f32 v4;
	v1 =	vcvt.f32.s32 v1  }
0x43: {  	v3 =	vtrunc.f32 v3;
	v4 =	vcvt.f32.s32 v4  }
0x44: {  	v5 =	vtrunc.f32 v5;
	v3 =	vcvt.f32.s32 v3;
	[tilespmem:$0x340] =	vst v1  }
0x45: {  	v0 =	vcvt.f32.s32 v0;
	[tilespmem:$0x350] =	vst v4;
	v1 =	vmul.f32 $9.999900000e+04, v63  }
0x46: {  	v4 =	vcvt.f32.s32 v5;
	[tilespmem:$0x320] =	vst v3;
	v3 =	vtrunc.f32 v6  }
0x47: {  	s12 =	ssub.s32 $0x2, s12;
	[tilespmem:$0x300] =	vst v0;
	v0 =	vcvt.f32.s32 v3;
	v1 =	vtrunc.f32 v1  }
0x48: {  	s14 =	sshrl.u32 s12, $0x1;
	v2 =	vtrunc.f32 v2;
	[tilespmem:$0x310] =	vst v4;
	v1 =	vcvt.f32.s32 v1  }
0x49: {  	s17 =	ssub.s32 s12, s14;
	[tilespmem:$0x330] =	vst v0;
	v0 =	vcvt.f32.s32 v2  }
0x4a: {  	s24 =	smax.u32 s17, $0x1;
	[tilespmem:$0x360] =	vst v1  }
0x4b: {  	s23 =	simm.s32 $0x300;
	s12 =	simm.s32 $0x8400;
	p0 =	sne.s32 s24, $0x1;
	[tilespmem:$0x370] =	vst v0  }
0x4c: {  	[tilespmem:s12], [sflag:$0x4] =	stream.indirect.gather [hbm4b:s3+s7], $0x80, s23, s7, $0xb8;
	[tilespmem:$0x10400] =	vst v63  }
.Ltmp0:
0x4d: {  	s22 =	simm.s32 $0x380;
	(pc) =	sbr.rel @!p0 .LBB2_2-.Ltmp0, $4  }
0x4e: {  	s21 =	simm.s32 $0x2;
	s20 =	simm.s32 $0x3;
	s13 =	sshll.u32 s13, $0x4;
	v0 =	vld [tilespmem:$0x180]  }
0x4f: {  	s19 =	simm.s32 $0x4;
	s18 =	simm.s32 $0x5;
	s16 =	sadd.s32 s11, s13;
	v3 =	vld [tilespmem:$0x190]  }
0x50: {  	s17 =	simm.s32 $0xC400;
	s13 =	simm.s32 $0x6;
	s14 =	sadd.s32 $0x800, s16;
	v2 =	vld [tilespmem:$0x1C0]  }
0x51: {  	s15 =	sadd.s32 $0x1000, s16;
	s11 =	sadd.s32 $0x1800, s16;
	s24 =	sadd.s32 $0xFFFFFFFF, s24;
	v1 =	vld [tilespmem:$0x1B0]  }
.LBB2_1:
0x52: {  	p0 =	sne.s32 s24, $0x1;
	s24 =	sadd.s32 $0xFFFFFFFF, s24;
	v4 =	vld [tilespmem:$0x1A0]  }
0x53: {  	v0 =	vmul.f32 $9.999900000e+04, v0;
	v5 =	vld [tilespmem:$0x1D0]  }
0x54: {  	v3 =	vmul.f32 $9.999900000e+04, v3;
	v6 =	vld [tilespmem:$0x1E0]  }
0x55: {  	v0 =	vtrunc.f32 v0;
	v2 =	vmul.f32 $9.999900000e+04, v2;
	v7 =	vld [tilespmem:$0x1F0]  }
0x56: {  	v3 =	vtrunc.f32 v3;
	v1 =	vmul.f32 $9.999900000e+04, v1  }
0x57: {  	v3 =	vcvt.f32.s32 v3;
	v2 =	vtrunc.f32 v2  }
0x58: {  	v1 =	vtrunc.f32 v1;
	v2 =	vcvt.f32.s32 v2  }
0x59: {  	[tilespmem:$0x390] =	vst v3;
	v3 =	vmul.f32 $9.999900000e+04, v4;
	v1 =	vcvt.f32.s32 v1  }
0x5a: {  	[tilespmem:$0x3C0] =	vst v2;
	v2 =	vmul.f32 $9.999900000e+04, v5;
	v4 =	vmul.f32 $9.999900000e+04, v7  }
0x5b: {  	v3 =	vtrunc.f32 v3;
	[tilespmem:$0x3B0] =	vst v1;
	v1 =	vmul.f32 $9.999900000e+04, v6  }
0x5c: {  	v3 =	vcvt.f32.s32 v3;
	v2 =	vtrunc.f32 v2  }
0x5d: {  	v2 =	vcvt.f32.s32 v2;
	v1 =	vtrunc.f32 v1  }
0x5e: {  	v0 =	vcvt.f32.s32 v0;
	[tilespmem:$0x3A0] =	vst v3;
	v3 =	vtrunc.f32 v4  }
0x5f: {  	[tilespmem:$0x3D0] =	vst v2;
	v2 =	vcvt.f32.s32 v3  }
0x60: {  	[tilespmem:$0x380] =	vst v0;
	v0 =	vcvt.f32.s32 v1  }
0x61: {  	[tilespmem:$0x3F0] =	vst v2  }
0x62: {  	[tilespmem:$0x3E0] =	vst v0  }
0x63: {  	[tilespmem:s17], [sflag:$0x5] =	stream.indirect.gather [hbm4b:s3+s7], $0x80, s22, s7, $0xb8;
	[tilespmem:$0x10400] =	vst v63  }
0x64: {  	_ =	swait.ge [sflag:s21], $0x4000  }
0x65: {  	[sflag:s21] =	ssyncset.done $0x0  }
0x66: {  	[sflag:s21] =	ssyncadd.s32 $0xFFFFC000  }
0x67: {  	[hbm4b:s16+s2] =	stream.linear.scatter [tilespmem:s6], [sflag:$0x6], $0x4000, $0x38;
	[tilespmem:$0x10400] =	vst v63  }
0x68: {  	_ =	swait.ge [sflag:s20], $0x4000  }
0x69: {  	[sflag:s20] =	ssyncset.done $0x0  }
0x6a: {  	[sflag:s20] =	ssyncadd.s32 $0xFFFFC000  }
0x6b: {  	[hbm4b:s14+s2] =	stream.linear.scatter [tilespmem:s8], [sflag:$0x6], $0x4000, $0x38;
	[tilespmem:$0x10400] =	vst v63  }
0x6c: {  	_ =	swait.ge [sflag:s19], $0x4000  }
0x6d: {  	[sflag:s19] =	ssyncset.done $0x0  }
0x6e: {  	[sflag:s19] =	ssyncadd.s32 $0xFFFFC000  }
0x6f: {  	[hbm4b:s15+s2] =	stream.linear.scatter [tilespmem:s12], [sflag:$0x6], $0x4000, $0x38;
	[tilespmem:$0x10400] =	vst v63  }
0x70: {  	_ =	swait.ge [sflag:s18], $0x4000  }
0x71: {  	[sflag:s18] =	ssyncset.done $0x0  }
0x72: {  	[sflag:s18] =	ssyncadd.s32 $0xFFFFC000  }
0x73: {  	[hbm4b:s11+s2] =	stream.linear.scatter [tilespmem:s17], [sflag:$0x6], $0x4000, $0x38;
	[tilespmem:$0x10400] =	vst v63  }
0x74: {  	_ =	swait.ge [sflag:s13], $0x4000  }
0x75: {  	[sflag:s13] =	ssyncset.done $0x0  }
0x76: {  	[sflag:s13] =	ssyncadd.s32 $0xFFFFC000  }
0x77: {  	_ =	swait.ge [sflag:s13], $0x4000  }
0x78: {  	[sflag:s13] =	ssyncset.done $0x0  }
0x79: {  	[sflag:s13] =	ssyncadd.s32 $0xFFFFC000  }
0x7a: {  	_ =	swait.ge [sflag:s13], $0x4000  }
0x7b: {  	[sflag:s13] =	ssyncset.done $0x0  }
0x7c: {  	[sflag:s13] =	ssyncadd.s32 $0xFFFFC000  }
0x7d: {  	_ =	swait.ge [sflag:s13], $0x4000  }
0x7e: {  	[sflag:s13] =	ssyncset.done $0x0  }
0x7f: {  	[sflag:s13] =	ssyncadd.s32 $0xFFFFC000;
	_ =	sdelay $0x1  }
0x80: {  	[tilespmem:s2], [sflag:$0x1] =	stream.linear.gather [hbm4b:s4+s2], $0x200, $0x38;
	[tilespmem:$0x10400] =	vst v63  }
0x81: {  	_ =	swait.ge [sflag:s5], $0x200  }
0x82: {  	[sflag:s5] =	ssyncset.done $0x0  }
0x83: {  	[sflag:s5] =	ssyncadd.s32 $0xFFFFFE00  }
0x84: {  	v0 =	vld [tilespmem:$0x0]  }
0x85: {  	v1 =	vld [tilespmem:$0x10]  }
0x86: {  	v2 =	vld [tilespmem:$0x30]  }
0x87: {  	v3 =	vld [tilespmem:$0x40]  }
0x88: {  	v4 =	vld [tilespmem:$0x50]  }
0x89: {  	v0 =	vmul.f32 $9.999900000e+04, v0  }
0x8a: {  	v5 =	vld [tilespmem:$0x70]  }
0x8b: {  	v2 =	vmul.f32 $9.999900000e+04, v2  }
0x8c: {  	v1 =	vmul.f32 $9.999900000e+04, v1;
	v3 =	vmul.f32 $9.999900000e+04, v3  }
0x8d: {  	v0 =	vtrunc.f32 v0;
	v6 =	vld [tilespmem:$0x20];
	v2 =	vtrunc.f32 v2  }
0x8e: {  	v0 =	vcvt.f32.s32 v0;
	v4 =	vmul.f32 $9.999900000e+04, v4;
	v7 =	vld [tilespmem:$0x60]  }
0x8f: {  	v3 =	vtrunc.f32 v3;
	v5 =	vmul.f32 $9.999900000e+04, v5  }
0x90: {  	[tilespmem:$0x200] =	vst v0;
	v0 =	vtrunc.f32 v1;
	v1 =	vcvt.f32.s32 v2  }
0x91: {  	v2 =	vcvt.f32.s32 v3;
	v3 =	vtrunc.f32 v4  }
0x92: {  	v0 =	vcvt.f32.s32 v0;
	v4 =	vmul.f32 $9.999900000e+04, v6;
	[tilespmem:$0x230] =	vst v1  }
0x93: {  	[tilespmem:$0x240] =	vst v2;
	v1 =	vmul.f32 $9.999900000e+04, v7;
	v2 =	vtrunc.f32 v5  }
0x94: {  	v4 =	vtrunc.f32 v4;
	v2 =	vcvt.f32.s32 v2  }
0x95: {  	[tilespmem:$0x210] =	vst v0;
	v0 =	vcvt.f32.s32 v4;
	v1 =	vtrunc.f32 v1  }
0x96: {  	v3 =	vcvt.f32.s32 v3;
	v1 =	vcvt.f32.s32 v1;
	[tilespmem:$0x270] =	vst v2  }
0x97: {  	[tilespmem:$0x220] =	vst v0  }
0x98: {  	[tilespmem:$0x260] =	vst v1  }
0x99: {  	[tilespmem:$0x250] =	vst v3  }
0x9a: {  	[tilespmem:s6], [sflag:$0x2] =	stream.indirect.gather [hbm4b:s3+s7], $0x80, s9, s7, $0xb8;
	[tilespmem:$0x10400] =	vst v63  }
0x9b: {  	v0 =	vld [tilespmem:$0x80]  }
0x9c: {  	v1 =	vld [tilespmem:$0x90]  }
0x9d: {  	v2 =	vld [tilespmem:$0xA0]  }
0x9e: {  	v3 =	vld [tilespmem:$0xB0]  }
0x9f: {  	v4 =	vld [tilespmem:$0xC0]  }
0xa0: {  	v0 =	vmul.f32 $9.999900000e+04, v0;
	v5 =	vld [tilespmem:$0xF0]  }
0xa1: {  	v1 =	vmul.f32 $9.999900000e+04, v1;
	v6 =	vld [tilespmem:$0xD0]  }
0xa2: {  	v0 =	vtrunc.f32 v0;
	v2 =	vmul.f32 $9.999900000e+04, v2;
	v7 =	vld [tilespmem:$0xE0]  }
0xa3: {  	v1 =	vtrunc.f32 v1;
	v3 =	vmul.f32 $9.999900000e+04, v3  }
0xa4: {  	v1 =	vcvt.f32.s32 v1;
	v4 =	vmul.f32 $9.999900000e+04, v4  }
0xa5: {  	v2 =	vtrunc.f32 v2;
	v3 =	vtrunc.f32 v3  }
0xa6: {  	[tilespmem:$0x290] =	vst v1;
	v1 =	vcvt.f32.s32 v3;
	v3 =	vtrunc.f32 v4  }
0xa7: {  	v0 =	vcvt.f32.s32 v0;
	v3 =	vcvt.f32.s32 v3  }
0xa8: {  	v4 =	vmul.f32 $9.999900000e+04, v5;
	[tilespmem:$0x2B0] =	vst v1;
	v1 =	vmul.f32 $9.999900000e+04, v6  }
0xa9: {  	v2 =	vcvt.f32.s32 v2;
	[tilespmem:$0x2C0] =	vst v3;
	v3 =	vmul.f32 $9.999900000e+04, v7  }
0xaa: {  	[tilespmem:$0x280] =	vst v0;
	v0 =	vtrunc.f32 v1;
	v1 =	vtrunc.f32 v4  }
0xab: {  	v3 =	vtrunc.f32 v3;
	v1 =	vcvt.f32.s32 v1  }
0xac: {  	v0 =	vcvt.f32.s32 v0;
	[tilespmem:$0x2A0] =	vst v2;
	v2 =	vcvt.f32.s32 v3  }
0xad: {  	[tilespmem:$0x2F0] =	vst v1  }
0xae: {  	[tilespmem:$0x2D0] =	vst v0  }
0xaf: {  	[tilespmem:$0x2E0] =	vst v2  }
0xb0: {  	[tilespmem:s8], [sflag:$0x3] =	stream.indirect.gather [hbm4b:s3+s7], $0x80, s10, s7, $0xb8;
	[tilespmem:$0x10400] =	vst v63  }
0xb1: {  	v0 =	vld [tilespmem:$0x100]  }
0xb2: {  	v1 =	vld [tilespmem:$0x140]  }
0xb3: {  	v2 =	vld [tilespmem:$0x170]  }
0xb4: {  	v3 =	vld [tilespmem:$0x120]  }
0xb5: {  	v4 =	vld [tilespmem:$0x150]  }
0xb6: {  	v0 =	vmul.f32 $9.999900000e+04, v0;
	v5 =	vld [tilespmem:$0x110]  }
0xb7: {  	v6 =	vld [tilespmem:$0x130]  }
0xb8: {  	v0 =	vtrunc.f32 v0;
	v7 =	vld [tilespmem:$0x160];
	v2 =	vmul.f32 $9.999900000e+04, v2  }
0xb9: {  	v3 =	vmul.f32 $9.999900000e+04, v3  }
0xba: {  	v1 =	vmul.f32 $9.999900000e+04, v1;
	v4 =	vmul.f32 $9.999900000e+04, v4  }
0xbb: {  	v5 =	vmul.f32 $9.999900000e+04, v5;
	v3 =	vtrunc.f32 v3  }
0xbc: {  	v1 =	vtrunc.f32 v1;
	v4 =	vtrunc.f32 v4  }
0xbd: {  	v1 =	vcvt.f32.s32 v1;
	v4 =	vcvt.f32.s32 v4  }
0xbe: {  	v3 =	vcvt.f32.s32 v3;
	v5 =	vtrunc.f32 v5  }
0xbf: {  	v6 =	vmul.f32 $9.999900000e+04, v6;
	v5 =	vcvt.f32.s32 v5;
	[tilespmem:$0x340] =	vst v1  }
0xc0: {  	v0 =	vcvt.f32.s32 v0;
	v1 =	vmul.f32 $9.999900000e+04, v7;
	[tilespmem:$0x350] =	vst v4  }
0xc1: {  	v2 =	vtrunc.f32 v2;
	[tilespmem:$0x320] =	vst v3;
	v3 =	vtrunc.f32 v6  }
0xc2: {  	v1 =	vtrunc.f32 v1;
	[tilespmem:$0x300] =	vst v0;
	v0 =	vcvt.f32.s32 v3  }
0xc3: {  	v1 =	vcvt.f32.s32 v1;
	[tilespmem:$0x310] =	vst v5  }
0xc4: {  	[tilespmem:$0x330] =	vst v0;
	v0 =	vcvt.f32.s32 v2  }
0xc5: {  	[tilespmem:$0x360] =	vst v1  }
0xc6: {  	[tilespmem:$0x370] =	vst v0  }
0xc7: {  	[tilespmem:s12], [sflag:$0x4] =	stream.indirect.gather [hbm4b:s3+s7], $0x80, s23, s7, $0xb8;
	[tilespmem:$0x10400] =	vst v63  }
.Ltmp1:
0xc8: {  	_ = 	snop;
	(pc) =	sbr.rel @p0 .LBB2_1-.Ltmp1, $4  }
0xc9: {  	v0 =	vld [tilespmem:$0x180]  }
0xca: {  	v3 =	vld [tilespmem:$0x190]  }
0xcb: {  	v2 =	vld [tilespmem:$0x1C0]  }
0xcc: {  	v1 =	vld [tilespmem:$0x1B0]  }
.LBB2_2:
0xcd: {  	v4 =	vld [tilespmem:$0x1A0]  }
0xce: {  	v5 =	vld [tilespmem:$0x1D0]  }
0xcf: {  	v6 =	vld [tilespmem:$0x1F0];
	v0 =	vmul.f32 $9.999900000e+04, v0;
	v3 =	vmul.f32 $9.999900000e+04, v3  }
0xd0: {  	v7 =	vld [tilespmem:$0x1E0];
	v2 =	vmul.f32 $9.999900000e+04, v2  }
0xd1: {  	v0 =	vtrunc.f32 v0;
	v3 =	vtrunc.f32 v3  }
0xd2: {  	v1 =	vmul.f32 $9.999900000e+04, v1;
	v0 =	vcvt.f32.s32 v0  }
0xd3: {  	v3 =	vcvt.f32.s32 v3;
	v2 =	vtrunc.f32 v2  }
0xd4: {  	v4 =	vmul.f32 $9.999900000e+04, v4;
	v5 =	vmul.f32 $9.999900000e+04, v5  }
0xd5: {  	v58 =	vmul.f32 $9.999900000e+04, v6;
	v61 =	vmul.f32 $9.999900000e+04, v7  }
0xd6: {  	v1 =	vtrunc.f32 v1;
	v2 =	vcvt.f32.s32 v2;
	[tilespmem:$0x380] =	vst v0  }
0xd7: {  	v1 =	vcvt.f32.s32 v1;
	[tilespmem:$0x390] =	vst v3;
	v4 =	vtrunc.f32 v4  }
0xd8: {  	v60 =	vtrunc.f32 v5;
	[tilespmem:$0x3C0] =	vst v2;
	v59 =	vcvt.f32.s32 v4  }
0xd9: {  	v62 =	vtrunc.f32 v58;
	v4 =	vcvt.f32.s32 v60;
	[tilespmem:$0x3B0] =	vst v1  }
0xda: {  	v2 =	vcvt.f32.s32 v62;
	v1 =	vtrunc.f32 v61;
	[tilespmem:$0x3A0] =	vst v59  }
0xdb: {  	[tilespmem:$0x3D0] =	vst v4;
	v63 =	vcvt.f32.s32 v1  }
0xdc: {  	[tilespmem:$0x3F0] =	vst v2  }
0xdd: {  	[tilespmem:$0x3E0] =	vst v63  }
0xde: {  	[tilespmem:s17], [sflag:$0x5] =	stream.indirect.gather [hbm4b:s3+s7], $0x80, s22, s7, $0xb8;
	[tilespmem:$0x10400] =	vst v63  }
0xdf: {  	_ =	swait.ge [sflag:s21], $0x4000  }
0xe0: {  	[sflag:s21] =	ssyncset.done $0x0  }
0xe1: {  	[sflag:s21] =	ssyncadd.s32 $0xFFFFC000  }
0xe2: {  	[hbm4b:s16+s2] =	stream.linear.scatter [tilespmem:s6], [sflag:$0x6], $0x4000, $0x38;
	[tilespmem:$0x10400] =	vst v63  }
0xe3: {  	_ =	swait.ge [sflag:s20], $0x4000  }
0xe4: {  	[sflag:s20] =	ssyncset.done $0x0  }
0xe5: {  	[sflag:s20] =	ssyncadd.s32 $0xFFFFC000  }
0xe6: {  	[hbm4b:s14+s2] =	stream.linear.scatter [tilespmem:s8], [sflag:$0x6], $0x4000, $0x38;
	[tilespmem:$0x10400] =	vst v63  }
0xe7: {  	_ =	swait.ge [sflag:s19], $0x4000  }
0xe8: {  	[sflag:s19] =	ssyncset.done $0x0  }
0xe9: {  	[sflag:s19] =	ssyncadd.s32 $0xFFFFC000  }
0xea: {  	[hbm4b:s15+s2] =	stream.linear.scatter [tilespmem:s12], [sflag:$0x6], $0x4000, $0x38;
	[tilespmem:$0x10400] =	vst v63  }
0xeb: {  	_ =	swait.ge [sflag:s18], $0x4000  }
0xec: {  	[sflag:s18] =	ssyncset.done $0x0  }
0xed: {  	[sflag:s18] =	ssyncadd.s32 $0xFFFFC000  }
0xee: {  	[hbm4b:s11+s2] =	stream.linear.scatter [tilespmem:s17], [sflag:$0x6], $0x4000, $0x38;
	[tilespmem:$0x10400] =	vst v63  }
0xef: {  	_ =	swait.ge [sflag:s13], $0x4000  }
0xf0: {  	[sflag:s13] =	ssyncset.done $0x0  }
0xf1: {  	[sflag:s13] =	ssyncadd.s32 $0xFFFFC000  }
0xf2: {  	_ =	swait.ge [sflag:s13], $0x4000  }
0xf3: {  	[sflag:s13] =	ssyncset.done $0x0  }
0xf4: {  	[sflag:s13] =	ssyncadd.s32 $0xFFFFC000  }
0xf5: {  	_ =	swait.ge [sflag:s13], $0x4000  }
0xf6: {  	[sflag:s13] =	ssyncset.done $0x0  }
0xf7: {  	[sflag:s13] =	ssyncadd.s32 $0xFFFFC000  }
0xf8: {  	_ =	swait.ge [sflag:s13], $0x4000  }
0xf9: {  	[sflag:s13] =	ssyncset.done $0x0  }
0xfa: {  	[sflag:s13] =	ssyncadd.s32 $0xFFFFC000  }
0xfb: {  	_ =	sfence.sel $0x180000  }
0xfc: {  	[bflag:$0x0] =	sbarrier.arrive $0xFFFF  }
0xfd: {  	p0 =	sne.s32 s0, $0x0;
	_ =	strace $0x90000047  }
0xfe: {  	s0 =	sadd.s32 @!p0 $0x100000, s1;
	[bflag:$0x2] =	sbarrier.arrive $0xFFFF  }
0xff: {  	[sflag:s0] =	ssyncadd.tile.s32 @!p0 $0x1;
	_ =	shalt  }
.Lfunc_end2:
_tile_overlayer_lowered:
.L_overlay_start_2:
0x100: {  	(tag) =	ssettag $0x2  }
0x101: {  	s0 =	rddreg [dreg:$0x0];
	s2 =	stileid.u32  }
0x102: {  	s1 =	rddreg [dreg:$0x1];
	p0 =	sne.s32 s2, $0x0  }
0x103: {  	s3 =	rddreg [dreg:$0x2];
	[bflag:$0x3] =	sbarrier.arrive $0xFFFF;
	s2 =	simm.s32 @!p0 $0x1C07  }
0x104: {  	[timem:s3], [sflag:s2] =	dma.local @!p0 [hbm:s0], s1  }
0x105: {  	s0 =	simm.s32 @!p0 $0x7  }
0x106: {  	_ =	swait.ge @!p0 [sflag:s0], s1  }
0x107: {  	s1 =	ssub.s32 @!p0 $0x0, s1;
	[sflag:s0] =	ssyncset.done @!p0 $0x0  }
0x108: {  	[sflag:s0] =	ssyncadd.s32 @!p0 s1  }
0x109: {  	[bflag:$0x3] =	sbarrier.arrive $0xFFFF  }
0x10a: {  	_ =	shalt  }

</sc_bundles>
